<compile_context>
chip_gen: v7x
topology: tpu7x:2x2x1
jax: 0.10.2.dev20260603
libtpu: 0.0.44.dev20260713+nightly
codegen_flags: <defaults>
</compile_context>

<pallas_src>
import functools

import jax
import jax.numpy as jnp
from jax import lax
from jax.experimental import pallas as pl
from jax.experimental.pallas import tpu as pltpu
from jax.experimental.pallas import tpu_sc as plsc

BATCH = 16384
EMB_K = 64
NROWS = 1000000
NW = 32
B_PER_W = BATCH // NW
IDX_CHUNK = 128
N_CHUNKS = B_PER_W // IDX_CHUNK
BL = 16384
GRID = -(-NROWS // BL)


def _matvec_kernel(ut_ref, it_ref, wu_ref, wi_ref, pu_ref, pi_ref):
    pu_ref[...] = jnp.sum(ut_ref[...] * wu_ref[...], axis=0)
    pi_ref[...] = jnp.sum(it_ref[...] * wi_ref[...], axis=0)


def _project(ut, it, wu_col, wi_col):
    return pl.pallas_call(
        _matvec_kernel,
        grid=(GRID,),
        in_specs=[
            pl.BlockSpec((EMB_K, BL), lambda i: (0, i)),
            pl.BlockSpec((EMB_K, BL), lambda i: (0, i)),
            pl.BlockSpec((EMB_K, 1), lambda i: (0, 0)),
            pl.BlockSpec((EMB_K, 1), lambda i: (0, 0)),
        ],
        out_specs=[
            pl.BlockSpec((BL,), lambda i: (i,)),
            pl.BlockSpec((BL,), lambda i: (i,)),
        ],
        out_shape=[
            jax.ShapeDtypeStruct((NROWS,), jnp.float32),
            jax.ShapeDtypeStruct((NROWS,), jnp.float32),
        ],
    )(ut, it, wu_col, wi_col)


def _sc_kernel(xu_hbm, xi_hbm, b_hbm, pu_hbm, pi_hbm, out_hbm,
               idx_u, idx_i, pu_v, pi_v, b_v, out_v, *sems):
    cid = lax.axis_index("c")
    sid = lax.axis_index("s")
    wid = sid * 2 + cid
    pltpu.sync_copy(xu_hbm.at[pl.ds(wid * N_CHUNKS, N_CHUNKS)], idx_u)
    pltpu.sync_copy(xi_hbm.at[pl.ds(wid * N_CHUNKS, N_CHUNKS)], idx_i)
    pltpu.sync_copy(b_hbm, b_v)
    copies = []
    for j in range(N_CHUNKS):
        copies.append(pltpu.async_copy(
            pu_hbm.at[idx_u.at[j]],
            pu_v.at[pl.ds(j * IDX_CHUNK, IDX_CHUNK)], sems[j]))
        copies.append(pltpu.async_copy(
            pi_hbm.at[idx_i.at[j]],
            pi_v.at[pl.ds(j * IDX_CHUNK, IDX_CHUNK)], sems[N_CHUNKS + j]))
    for c in copies:
        c.wait()
    bias = b_v[...]
    for g in range(B_PER_W // 16):
        z = pu_v[pl.ds(g * 16, 16)] + pi_v[pl.ds(g * 16, 16)] + bias
        out_v[pl.ds(g * 16, 16)] = 1.0 / (1.0 + jnp.exp(-z))
    pltpu.sync_copy(out_v, out_hbm.at[pl.ds(wid * B_PER_W, B_PER_W)])


def _gather_head(xu, xi, b16, pu, pi):
    mesh = plsc.VectorSubcoreMesh(core_axis_name="c", subcore_axis_name="s")
    kfn = functools.partial(
        pl.kernel,
        mesh=mesh,
        compiler_params=pltpu.CompilerParams(
            needs_layout_passes=False, use_tc_tiling_on_sc=False),
        out_type=jax.ShapeDtypeStruct((BATCH,), jnp.float32),
        scratch_types=[
            pltpu.VMEM((N_CHUNKS, IDX_CHUNK), jnp.int32),
            pltpu.VMEM((N_CHUNKS, IDX_CHUNK), jnp.int32),
            pltpu.VMEM((B_PER_W,), jnp.float32),
            pltpu.VMEM((B_PER_W,), jnp.float32),
            pltpu.VMEM((16,), jnp.float32),
            pltpu.VMEM((B_PER_W,), jnp.float32),
        ] + [pltpu.SemaphoreType.DMA] * (2 * N_CHUNKS),
    )(_sc_kernel)
    return kfn(xu, xi, b16, pu, pi)


@jax.jit
def _run(x, user_table, item_table, W, b):
    xu = x[:, 0].astype(jnp.int32).reshape(NW * N_CHUNKS, IDX_CHUNK)
    xi = x[:, 1].astype(jnp.int32).reshape(NW * N_CHUNKS, IDX_CHUNK)
    wu_col = W[0, :EMB_K].reshape(EMB_K, 1)
    wi_col = W[0, EMB_K:].reshape(EMB_K, 1)
    b16 = jnp.broadcast_to(b, (16,))
    pu, pi = _project(user_table.T, item_table.T, wu_col, wi_col)
    return _gather_head(xu, xi, b16, pu, pi)


def kernel(x, user_table, item_table, W, b):
    return _run(x, user_table, item_table, W, b)

# --- scband reference (transcript-rebuilt; emitter-appended) ---
"""Pipeline reference for scband-logistic-regression-30253749633246 (READ-ONLY COPY).

The authoritative reference and input builder live on the scoring server;
editing this copy changes nothing except your own understanding.
"""

import jax, jax.numpy as jnp
import numpy as np

NUM_USERS = 1000000
NUM_ITEMS = 1000000
EMB_K = 64
BATCH = 16384


def setup_inputs(seed: int = 0) -> dict:
    key = jax.random.key(seed)
    k1, k2, k3, k4, k5 = jax.random.split(key, 5)
    x = jax.random.randint(k1, (BATCH, 2), 0, NUM_USERS, dtype=jnp.int64)
    user_table = jax.random.normal(k2, (NUM_USERS, EMB_K), dtype=jnp.float32)
    item_table = jax.random.normal(k3, (NUM_ITEMS, EMB_K), dtype=jnp.float32)
    # torch Linear(in=128, out=1): W shape [1, 128], b shape [1]
    W = jax.random.normal(k4, (1, 2 * EMB_K), dtype=jnp.float32) * (1.0 / np.sqrt(2 * EMB_K))
    b = jax.random.normal(k5, (1,), dtype=jnp.float32) * 0.01
    return {"x": x, "user_table": user_table, "item_table": item_table, "W": W, "b": b}


def reference(x, user_table, item_table, W, b):
    user_emb = jnp.take(user_table, x[:, 0], axis=0)
    item_emb = jnp.take(item_table, x[:, 1], axis=0)
    z_emb = jnp.concatenate([user_emb, item_emb], axis=1)
    out = z_emb @ W.T + b  # [BATCH, 1]
    return jax.nn.sigmoid(jnp.squeeze(out, axis=-1))

if __name__ == "__main__":
    import jax
    _d = setup_inputs()
    print(jax.jit(kernel)(*tuple(_d.values())))

</pallas_src>

<mosaic_0001>
#map = affine_map<(d0, d1) -> (0, 0)>
#map1 = affine_map<(d0, d1) -> (0)>
module attributes {stable_mosaic.version = 14 : i64} {
  func.func @_sc_kernel(%arg0: i32, %arg1: i32, %arg2: memref<128x128xi32, #tpu.memory_space<hbm>>, %arg3: memref<128x128xi32, #tpu.memory_space<hbm>>, %arg4: memref<16xf32, #tpu.memory_space<hbm>>, %arg5: memref<1000000xf32, #tpu.memory_space<hbm>>, %arg6: memref<1000000xf32, #tpu.memory_space<hbm>>, %arg7: memref<16384xf32, #tpu.memory_space<hbm>>, %arg8: memref<4x128xi32, #tpu.memory_space<vmem>>, %arg9: memref<4x128xi32, #tpu.memory_space<vmem>>, %arg10: memref<512xf32, #tpu.memory_space<vmem>>, %arg11: memref<512xf32, #tpu.memory_space<vmem>>, %arg12: memref<16xf32, #tpu.memory_space<vmem>>, %arg13: memref<512xf32, #tpu.memory_space<vmem>>, %arg14: memref<!tpu.dma_semaphore, #tpu.memory_space<semaphore_mem>>, %arg15: memref<!tpu.dma_semaphore, #tpu.memory_space<semaphore_mem>>, %arg16: memref<!tpu.dma_semaphore, #tpu.memory_space<semaphore_mem>>, %arg17: memref<!tpu.dma_semaphore, #tpu.memory_space<semaphore_mem>>, %arg18: memref<!tpu.dma_semaphore, #tpu.memory_space<semaphore_mem>>, %arg19: memref<!tpu.dma_semaphore, #tpu.memory_space<semaphore_mem>>, %arg20: memref<!tpu.dma_semaphore, #tpu.memory_space<semaphore_mem>>, %arg21: memref<!tpu.dma_semaphore, #tpu.memory_space<semaphore_mem>>) attributes {dimension_semantics = [#tpu.dimension_semantics<core_parallel>, #tpu.dimension_semantics<subcore_parallel>], iteration_bounds = array<i64: 2, 16>, scalar_prefetch = 0 : i64, scratch_operands = 14 : i64, tpu.core_type = #tpu.core_type<sc_vector_subcore>, window_params = [{transform_indices = #map}, {transform_indices = #map}, {transform_indices = #map1}, {transform_indices = #map1}, {transform_indices = #map1}, {transform_indices = #map1}]} {
    %mul3A = arith.constant 2 : i32
    %mul3A_0 = arith.muli %arg1, %mul3A : i32
    %add3A = arith.addi %mul3A_0, %arg0 : i32
    %mul3A_1 = arith.constant 4 : i32
    %mul3A_2 = arith.muli %add3A, %mul3A_1 : i32
    "tpu.region"() ({
      %run_scoped3A = tpu.sem_alloc : memref<!tpu.dma_semaphore, #tpu.memory_space<semaphore_mem>>
      %dma_start3A_706 = arith.constant 0 : i32
      %dma_start3A_707 = tpu.memref_slice %arg2[%mul3A_2, %dma_start3A_706] : memref<128x128xi32, #tpu.memory_space<hbm>> -> memref<4x128xi32, #tpu.memory_space<hbm>>
      %dma_start3A_708 = arith.constant 0 : i32
      %dma_start3A_709 = tpu.memref_slice %arg2[%mul3A_2, %dma_start3A_708] : memref<128x128xi32, #tpu.memory_space<hbm>> -> memref<4x128xi32, #tpu.memory_space<hbm>>
      tpu.enqueue_dma source(%dma_start3A_709 : memref<4x128xi32, #tpu.memory_space<hbm>>) target(%arg8 : memref<4x128xi32, #tpu.memory_space<vmem>>) target_semaphore(%run_scoped3A : memref<!tpu.dma_semaphore, #tpu.memory_space<semaphore_mem>>)
      %dma_wait3A_710 = arith.constant 0 : i32
      %dma_wait3A_711 = tpu.memref_slice %arg2[%mul3A_2, %dma_wait3A_710] : memref<128x128xi32, #tpu.memory_space<hbm>> -> memref<4x128xi32, #tpu.memory_space<hbm>>
      %dma_wait3A_712 = arith.constant 0 : i32
      %dma_wait3A_713 = tpu.memref_slice %arg2[%mul3A_2, %dma_wait3A_712] : memref<128x128xi32, #tpu.memory_space<hbm>> -> memref<4x128xi32, #tpu.memory_space<hbm>>
      tpu.wait_dma2 semaphore(%run_scoped3A : memref<!tpu.dma_semaphore, #tpu.memory_space<semaphore_mem>>) src(%dma_wait3A_713 : memref<4x128xi32, #tpu.memory_space<hbm>>) dst(%arg8 : memref<4x128xi32, #tpu.memory_space<vmem>>)
      tpu.yield
    }) : () -> ()
    %mul3A_3 = arith.constant 4 : i32
    %mul3A_4 = arith.muli %add3A, %mul3A_3 : i32
    "tpu.region"() ({
      %run_scoped3A = tpu.sem_alloc : memref<!tpu.dma_semaphore, #tpu.memory_space<semaphore_mem>>
      %dma_start3A_706 = arith.constant 0 : i32
      %dma_start3A_707 = tpu.memref_slice %arg3[%mul3A_4, %dma_start3A_706] : memref<128x128xi32, #tpu.memory_space<hbm>> -> memref<4x128xi32, #tpu.memory_space<hbm>>
      %dma_start3A_708 = arith.constant 0 : i32
      %dma_start3A_709 = tpu.memref_slice %arg3[%mul3A_4, %dma_start3A_708] : memref<128x128xi32, #tpu.memory_space<hbm>> -> memref<4x128xi32, #tpu.memory_space<hbm>>
      tpu.enqueue_dma source(%dma_start3A_709 : memref<4x128xi32, #tpu.memory_space<hbm>>) target(%arg9 : memref<4x128xi32, #tpu.memory_space<vmem>>) target_semaphore(%run_scoped3A : memref<!tpu.dma_semaphore, #tpu.memory_space<semaphore_mem>>)
      %dma_wait3A_710 = arith.constant 0 : i32
      %dma_wait3A_711 = tpu.memref_slice %arg3[%mul3A_4, %dma_wait3A_710] : memref<128x128xi32, #tpu.memory_space<hbm>> -> memref<4x128xi32, #tpu.memory_space<hbm>>
      %dma_wait3A_712 = arith.constant 0 : i32
      %dma_wait3A_713 = tpu.memref_slice %arg3[%mul3A_4, %dma_wait3A_712] : memref<128x128xi32, #tpu.memory_space<hbm>> -> memref<4x128xi32, #tpu.memory_space<hbm>>
      tpu.wait_dma2 semaphore(%run_scoped3A : memref<!tpu.dma_semaphore, #tpu.memory_space<semaphore_mem>>) src(%dma_wait3A_713 : memref<4x128xi32, #tpu.memory_space<hbm>>) dst(%arg9 : memref<4x128xi32, #tpu.memory_space<vmem>>)
      tpu.yield
    }) : () -> ()
    "tpu.region"() ({
      %run_scoped3A = tpu.sem_alloc : memref<!tpu.dma_semaphore, #tpu.memory_space<semaphore_mem>>
      tpu.enqueue_dma source(%arg4 : memref<16xf32, #tpu.memory_space<hbm>>) target(%arg12 : memref<16xf32, #tpu.memory_space<vmem>>) target_semaphore(%run_scoped3A : memref<!tpu.dma_semaphore, #tpu.memory_space<semaphore_mem>>)
      tpu.wait_dma2 semaphore(%run_scoped3A : memref<!tpu.dma_semaphore, #tpu.memory_space<semaphore_mem>>) src(%arg4 : memref<16xf32, #tpu.memory_space<hbm>>) dst(%arg12 : memref<16xf32, #tpu.memory_space<vmem>>)
      tpu.yield
    }) : () -> ()
    %dma_start3A = arith.constant 0 : i32
    %dma_start3A_5 = arith.constant 0 : i32
    %dma_start3A_6 = tpu.memref_slice %arg10[%dma_start3A_5] : memref<512xf32, #tpu.memory_space<vmem>> -> memref<128xf32, #tpu.memory_space<vmem>>
    %dma_start3A_7 = arith.constant 0 : i32
    %dma_start3A_8 = tpu.memref_slice %arg8[%dma_start3A, %dma_start3A_7] : memref<4x128xi32, #tpu.memory_space<vmem>> -> memref<1x128xi32, #tpu.memory_space<vmem>>
    %dma_start3A_9 = tpu.memref_squeeze %dma_start3A_8 : memref<1x128xi32, #tpu.memory_space<vmem>> -> memref<128xi32, #tpu.memory_space<vmem>>
    %dma_start3A_10 = arith.constant 0 : i32
    %dma_start3A_11 = tpu.memref_slice %arg5[%dma_start3A_10] : memref<1000000xf32, #tpu.memory_space<hbm>> -> memref<1000000xf32, #tpu.memory_space<hbm>>
    tpu.enqueue_indirect_dma source(%dma_start3A_11 : memref<1000000xf32, #tpu.memory_space<hbm>>) target(%dma_start3A_6 : memref<128xf32, #tpu.memory_space<vmem>>) offsets(%dma_start3A_9 : memref<128xi32, #tpu.memory_space<vmem>>) semaphore(%arg14 : memref<!tpu.dma_semaphore, #tpu.memory_space<semaphore_mem>>)
    %dma_start3A_12 = arith.constant 0 : i32
    %dma_start3A_13 = arith.constant 0 : i32
    %dma_start3A_14 = tpu.memref_slice %arg11[%dma_start3A_13] : memref<512xf32, #tpu.memory_space<vmem>> -> memref<128xf32, #tpu.memory_space<vmem>>
    %dma_start3A_15 = arith.constant 0 : i32
    %dma_start3A_16 = tpu.memref_slice %arg9[%dma_start3A_12, %dma_start3A_15] : memref<4x128xi32, #tpu.memory_space<vmem>> -> memref<1x128xi32, #tpu.memory_space<vmem>>
    %dma_start3A_17 = tpu.memref_squeeze %dma_start3A_16 : memref<1x128xi32, #tpu.memory_space<vmem>> -> memref<128xi32, #tpu.memory_space<vmem>>
    %dma_start3A_18 = arith.constant 0 : i32
    %dma_start3A_19 = tpu.memref_slice %arg6[%dma_start3A_18] : memref<1000000xf32, #tpu.memory_space<hbm>> -> memref<1000000xf32, #tpu.memory_space<hbm>>
    tpu.enqueue_indirect_dma source(%dma_start3A_19 : memref<1000000xf32, #tpu.memory_space<hbm>>) target(%dma_start3A_14 : memref<128xf32, #tpu.memory_space<vmem>>) offsets(%dma_start3A_17 : memref<128xi32, #tpu.memory_space<vmem>>) semaphore(%arg18 : memref<!tpu.dma_semaphore, #tpu.memory_space<semaphore_mem>>)
    %dma_start3A_20 = arith.constant 1 : i32
    %dma_start3A_21 = arith.constant 128 : i32
    %dma_start3A_22 = tpu.memref_slice %arg10[%dma_start3A_21] : memref<512xf32, #tpu.memory_space<vmem>> -> memref<128xf32, #tpu.memory_space<vmem>>
    %dma_start3A_23 = arith.constant 0 : i32
    %dma_start3A_24 = tpu.memref_slice %arg8[%dma_start3A_20, %dma_start3A_23] : memref<4x128xi32, #tpu.memory_space<vmem>> -> memref<1x128xi32, #tpu.memory_space<vmem>>
    %dma_start3A_25 = tpu.memref_squeeze %dma_start3A_24 : memref<1x128xi32, #tpu.memory_space<vmem>> -> memref<128xi32, #tpu.memory_space<vmem>>
    %dma_start3A_26 = arith.constant 0 : i32
    %dma_start3A_27 = tpu.memref_slice %arg5[%dma_start3A_26] : memref<1000000xf32, #tpu.memory_space<hbm>> -> memref<1000000xf32, #tpu.memory_space<hbm>>
    tpu.enqueue_indirect_dma source(%dma_start3A_27 : memref<1000000xf32, #tpu.memory_space<hbm>>) target(%dma_start3A_22 : memref<128xf32, #tpu.memory_space<vmem>>) offsets(%dma_start3A_25 : memref<128xi32, #tpu.memory_space<vmem>>) semaphore(%arg15 : memref<!tpu.dma_semaphore, #tpu.memory_space<semaphore_mem>>)
    %dma_start3A_28 = arith.constant 1 : i32
    %dma_start3A_29 = arith.constant 128 : i32
    %dma_start3A_30 = tpu.memref_slice %arg11[%dma_start3A_29] : memref<512xf32, #tpu.memory_space<vmem>> -> memref<128xf32, #tpu.memory_space<vmem>>
    %dma_start3A_31 = arith.constant 0 : i32
    %dma_start3A_32 = tpu.memref_slice %arg9[%dma_start3A_28, %dma_start3A_31] : memref<4x128xi32, #tpu.memory_space<vmem>> -> memref<1x128xi32, #tpu.memory_space<vmem>>
    %dma_start3A_33 = tpu.memref_squeeze %dma_start3A_32 : memref<1x128xi32, #tpu.memory_space<vmem>> -> memref<128xi32, #tpu.memory_space<vmem>>
    %dma_start3A_34 = arith.constant 0 : i32
    %dma_start3A_35 = tpu.memref_slice %arg6[%dma_start3A_34] : memref<1000000xf32, #tpu.memory_space<hbm>> -> memref<1000000xf32, #tpu.memory_space<hbm>>
    tpu.enqueue_indirect_dma source(%dma_start3A_35 : memref<1000000xf32, #tpu.memory_space<hbm>>) target(%dma_start3A_30 : memref<128xf32, #tpu.memory_space<vmem>>) offsets(%dma_start3A_33 : memref<128xi32, #tpu.memory_space<vmem>>) semaphore(%arg19 : memref<!tpu.dma_semaphore, #tpu.memory_space<semaphore_mem>>)
    %dma_start3A_36 = arith.constant 2 : i32
    %dma_start3A_37 = arith.constant 256 : i32
    %dma_start3A_38 = tpu.memref_slice %arg10[%dma_start3A_37] : memref<512xf32, #tpu.memory_space<vmem>> -> memref<128xf32, #tpu.memory_space<vmem>>
    %dma_start3A_39 = arith.constant 0 : i32
    %dma_start3A_40 = tpu.memref_slice %arg8[%dma_start3A_36, %dma_start3A_39] : memref<4x128xi32, #tpu.memory_space<vmem>> -> memref<1x128xi32, #tpu.memory_space<vmem>>
    %dma_start3A_41 = tpu.memref_squeeze %dma_start3A_40 : memref<1x128xi32, #tpu.memory_space<vmem>> -> memref<128xi32, #tpu.memory_space<vmem>>
    %dma_start3A_42 = arith.constant 0 : i32
    %dma_start3A_43 = tpu.memref_slice %arg5[%dma_start3A_42] : memref<1000000xf32, #tpu.memory_space<hbm>> -> memref<1000000xf32, #tpu.memory_space<hbm>>
    tpu.enqueue_indirect_dma source(%dma_start3A_43 : memref<1000000xf32, #tpu.memory_space<hbm>>) target(%dma_start3A_38 : memref<128xf32, #tpu.memory_space<vmem>>) offsets(%dma_start3A_41 : memref<128xi32, #tpu.memory_space<vmem>>) semaphore(%arg16 : memref<!tpu.dma_semaphore, #tpu.memory_space<semaphore_mem>>)
    %dma_start3A_44 = arith.constant 2 : i32
    %dma_start3A_45 = arith.constant 256 : i32
    %dma_start3A_46 = tpu.memref_slice %arg11[%dma_start3A_45] : memref<512xf32, #tpu.memory_space<vmem>> -> memref<128xf32, #tpu.memory_space<vmem>>
    %dma_start3A_47 = arith.constant 0 : i32
    %dma_start3A_48 = tpu.memref_slice %arg9[%dma_start3A_44, %dma_start3A_47] : memref<4x128xi32, #tpu.memory_space<vmem>> -> memref<1x128xi32, #tpu.memory_space<vmem>>
    %dma_start3A_49 = tpu.memref_squeeze %dma_start3A_48 : memref<1x128xi32, #tpu.memory_space<vmem>> -> memref<128xi32, #tpu.memory_space<vmem>>
    %dma_start3A_50 = arith.constant 0 : i32
    %dma_start3A_51 = tpu.memref_slice %arg6[%dma_start3A_50] : memref<1000000xf32, #tpu.memory_space<hbm>> -> memref<1000000xf32, #tpu.memory_space<hbm>>
    tpu.enqueue_indirect_dma source(%dma_start3A_51 : memref<1000000xf32, #tpu.memory_space<hbm>>) target(%dma_start3A_46 : memref<128xf32, #tpu.memory_space<vmem>>) offsets(%dma_start3A_49 : memref<128xi32, #tpu.memory_space<vmem>>) semaphore(%arg20 : memref<!tpu.dma_semaphore, #tpu.memory_space<semaphore_mem>>)
    %dma_start3A_52 = arith.constant 3 : i32
    %dma_start3A_53 = arith.constant 384 : i32
    %dma_start3A_54 = tpu.memref_slice %arg10[%dma_start3A_53] : memref<512xf32, #tpu.memory_space<vmem>> -> memref<128xf32, #tpu.memory_space<vmem>>
    %dma_start3A_55 = arith.constant 0 : i32
    %dma_start3A_56 = tpu.memref_slice %arg8[%dma_start3A_52, %dma_start3A_55] : memref<4x128xi32, #tpu.memory_space<vmem>> -> memref<1x128xi32, #tpu.memory_space<vmem>>
    %dma_start3A_57 = tpu.memref_squeeze %dma_start3A_56 : memref<1x128xi32, #tpu.memory_space<vmem>> -> memref<128xi32, #tpu.memory_space<vmem>>
    %dma_start3A_58 = arith.constant 0 : i32
    %dma_start3A_59 = tpu.memref_slice %arg5[%dma_start3A_58] : memref<1000000xf32, #tpu.memory_space<hbm>> -> memref<1000000xf32, #tpu.memory_space<hbm>>
    tpu.enqueue_indirect_dma source(%dma_start3A_59 : memref<1000000xf32, #tpu.memory_space<hbm>>) target(%dma_start3A_54 : memref<128xf32, #tpu.memory_space<vmem>>) offsets(%dma_start3A_57 : memref<128xi32, #tpu.memory_space<vmem>>) semaphore(%arg17 : memref<!tpu.dma_semaphore, #tpu.memory_space<semaphore_mem>>)
    %dma_start3A_60 = arith.constant 3 : i32
    %dma_start3A_61 = arith.constant 384 : i32
    %dma_start3A_62 = tpu.memref_slice %arg11[%dma_start3A_61] : memref<512xf32, #tpu.memory_space<vmem>> -> memref<128xf32, #tpu.memory_space<vmem>>
    %dma_start3A_63 = arith.constant 0 : i32
    %dma_start3A_64 = tpu.memref_slice %arg9[%dma_start3A_60, %dma_start3A_63] : memref<4x128xi32, #tpu.memory_space<vmem>> -> memref<1x128xi32, #tpu.memory_space<vmem>>
    %dma_start3A_65 = tpu.memref_squeeze %dma_start3A_64 : memref<1x128xi32, #tpu.memory_space<vmem>> -> memref<128xi32, #tpu.memory_space<vmem>>
    %dma_start3A_66 = arith.constant 0 : i32
    %dma_start3A_67 = tpu.memref_slice %arg6[%dma_start3A_66] : memref<1000000xf32, #tpu.memory_space<hbm>> -> memref<1000000xf32, #tpu.memory_space<hbm>>
    tpu.enqueue_indirect_dma source(%dma_start3A_67 : memref<1000000xf32, #tpu.memory_space<hbm>>) target(%dma_start3A_62 : memref<128xf32, #tpu.memory_space<vmem>>) offsets(%dma_start3A_65 : memref<128xi32, #tpu.memory_space<vmem>>) semaphore(%arg21 : memref<!tpu.dma_semaphore, #tpu.memory_space<semaphore_mem>>)
    %dma_wait3A = arith.constant 0 : i32
    %dma_wait3A_68 = arith.constant 0 : i32
    %dma_wait3A_69 = tpu.memref_slice %arg10[%dma_wait3A_68] : memref<512xf32, #tpu.memory_space<vmem>> -> memref<128xf32, #tpu.memory_space<vmem>>
    %dma_wait3A_70 = arith.constant 0 : i32
    %dma_wait3A_71 = tpu.memref_slice %arg8[%dma_wait3A, %dma_wait3A_70] : memref<4x128xi32, #tpu.memory_space<vmem>> -> memref<1x128xi32, #tpu.memory_space<vmem>>
    %dma_wait3A_72 = tpu.memref_squeeze %dma_wait3A_71 : memref<1x128xi32, #tpu.memory_space<vmem>> -> memref<128xi32, #tpu.memory_space<vmem>>
    %dma_wait3A_73 = arith.constant 0 : i32
    %dma_wait3A_74 = tpu.memref_slice %arg5[%dma_wait3A_73] : memref<1000000xf32, #tpu.memory_space<hbm>> -> memref<1000000xf32, #tpu.memory_space<hbm>>
    tpu.wait_indirect_dma semaphore(%arg14 : memref<!tpu.dma_semaphore, #tpu.memory_space<semaphore_mem>>) src(%dma_wait3A_74 : memref<1000000xf32, #tpu.memory_space<hbm>>) dst(%dma_wait3A_69 : memref<128xf32, #tpu.memory_space<vmem>>)
    %dma_wait3A_75 = arith.constant 0 : i32
    %dma_wait3A_76 = arith.constant 0 : i32
    %dma_wait3A_77 = tpu.memref_slice %arg11[%dma_wait3A_76] : memref<512xf32, #tpu.memory_space<vmem>> -> memref<128xf32, #tpu.memory_space<vmem>>
    %dma_wait3A_78 = arith.constant 0 : i32
    %dma_wait3A_79 = tpu.memref_slice %arg9[%dma_wait3A_75, %dma_wait3A_78] : memref<4x128xi32, #tpu.memory_space<vmem>> -> memref<1x128xi32, #tpu.memory_space<vmem>>
    %dma_wait3A_80 = tpu.memref_squeeze %dma_wait3A_79 : memref<1x128xi32, #tpu.memory_space<vmem>> -> memref<128xi32, #tpu.memory_space<vmem>>
    %dma_wait3A_81 = arith.constant 0 : i32
    %dma_wait3A_82 = tpu.memref_slice %arg6[%dma_wait3A_81] : memref<1000000xf32, #tpu.memory_space<hbm>> -> memref<1000000xf32, #tpu.memory_space<hbm>>
    tpu.wait_indirect_dma semaphore(%arg18 : memref<!tpu.dma_semaphore, #tpu.memory_space<semaphore_mem>>) src(%dma_wait3A_82 : memref<1000000xf32, #tpu.memory_space<hbm>>) dst(%dma_wait3A_77 : memref<128xf32, #tpu.memory_space<vmem>>)
    %dma_wait3A_83 = arith.constant 1 : i32
    %dma_wait3A_84 = arith.constant 128 : i32
    %dma_wait3A_85 = tpu.memref_slice %arg10[%dma_wait3A_84] : memref<512xf32, #tpu.memory_space<vmem>> -> memref<128xf32, #tpu.memory_space<vmem>>
    %dma_wait3A_86 = arith.constant 0 : i32
    %dma_wait3A_87 = tpu.memref_slice %arg8[%dma_wait3A_83, %dma_wait3A_86] : memref<4x128xi32, #tpu.memory_space<vmem>> -> memref<1x128xi32, #tpu.memory_space<vmem>>
    %dma_wait3A_88 = tpu.memref_squeeze %dma_wait3A_87 : memref<1x128xi32, #tpu.memory_space<vmem>> -> memref<128xi32, #tpu.memory_space<vmem>>
    %dma_wait3A_89 = arith.constant 0 : i32
    %dma_wait3A_90 = tpu.memref_slice %arg5[%dma_wait3A_89] : memref<1000000xf32, #tpu.memory_space<hbm>> -> memref<1000000xf32, #tpu.memory_space<hbm>>
    tpu.wait_indirect_dma semaphore(%arg15 : memref<!tpu.dma_semaphore, #tpu.memory_space<semaphore_mem>>) src(%dma_wait3A_90 : memref<1000000xf32, #tpu.memory_space<hbm>>) dst(%dma_wait3A_85 : memref<128xf32, #tpu.memory_space<vmem>>)
    %dma_wait3A_91 = arith.constant 1 : i32
    %dma_wait3A_92 = arith.constant 128 : i32
    %dma_wait3A_93 = tpu.memref_slice %arg11[%dma_wait3A_92] : memref<512xf32, #tpu.memory_space<vmem>> -> memref<128xf32, #tpu.memory_space<vmem>>
    %dma_wait3A_94 = arith.constant 0 : i32
    %dma_wait3A_95 = tpu.memref_slice %arg9[%dma_wait3A_91, %dma_wait3A_94] : memref<4x128xi32, #tpu.memory_space<vmem>> -> memref<1x128xi32, #tpu.memory_space<vmem>>
    %dma_wait3A_96 = tpu.memref_squeeze %dma_wait3A_95 : memref<1x128xi32, #tpu.memory_space<vmem>> -> memref<128xi32, #tpu.memory_space<vmem>>
    %dma_wait3A_97 = arith.constant 0 : i32
    %dma_wait3A_98 = tpu.memref_slice %arg6[%dma_wait3A_97] : memref<1000000xf32, #tpu.memory_space<hbm>> -> memref<1000000xf32, #tpu.memory_space<hbm>>
    tpu.wait_indirect_dma semaphore(%arg19 : memref<!tpu.dma_semaphore, #tpu.memory_space<semaphore_mem>>) src(%dma_wait3A_98 : memref<1000000xf32, #tpu.memory_space<hbm>>) dst(%dma_wait3A_93 : memref<128xf32, #tpu.memory_space<vmem>>)
    %dma_wait3A_99 = arith.constant 2 : i32
    %dma_wait3A_100 = arith.constant 256 : i32
    %dma_wait3A_101 = tpu.memref_slice %arg10[%dma_wait3A_100] : memref<512xf32, #tpu.memory_space<vmem>> -> memref<128xf32, #tpu.memory_space<vmem>>
    %dma_wait3A_102 = arith.constant 0 : i32
    %dma_wait3A_103 = tpu.memref_slice %arg8[%dma_wait3A_99, %dma_wait3A_102] : memref<4x128xi32, #tpu.memory_space<vmem>> -> memref<1x128xi32, #tpu.memory_space<vmem>>
    %dma_wait3A_104 = tpu.memref_squeeze %dma_wait3A_103 : memref<1x128xi32, #tpu.memory_space<vmem>> -> memref<128xi32, #tpu.memory_space<vmem>>
    %dma_wait3A_105 = arith.constant 0 : i32
    %dma_wait3A_106 = tpu.memref_slice %arg5[%dma_wait3A_105] : memref<1000000xf32, #tpu.memory_space<hbm>> -> memref<1000000xf32, #tpu.memory_space<hbm>>
    tpu.wait_indirect_dma semaphore(%arg16 : memref<!tpu.dma_semaphore, #tpu.memory_space<semaphore_mem>>) src(%dma_wait3A_106 : memref<1000000xf32, #tpu.memory_space<hbm>>) dst(%dma_wait3A_101 : memref<128xf32, #tpu.memory_space<vmem>>)
    %dma_wait3A_107 = arith.constant 2 : i32
    %dma_wait3A_108 = arith.constant 256 : i32
    %dma_wait3A_109 = tpu.memref_slice %arg11[%dma_wait3A_108] : memref<512xf32, #tpu.memory_space<vmem>> -> memref<128xf32, #tpu.memory_space<vmem>>
    %dma_wait3A_110 = arith.constant 0 : i32
    %dma_wait3A_111 = tpu.memref_slice %arg9[%dma_wait3A_107, %dma_wait3A_110] : memref<4x128xi32, #tpu.memory_space<vmem>> -> memref<1x128xi32, #tpu.memory_space<vmem>>
    %dma_wait3A_112 = tpu.memref_squeeze %dma_wait3A_111 : memref<1x128xi32, #tpu.memory_space<vmem>> -> memref<128xi32, #tpu.memory_space<vmem>>
    %dma_wait3A_113 = arith.constant 0 : i32
    %dma_wait3A_114 = tpu.memref_slice %arg6[%dma_wait3A_113] : memref<1000000xf32, #tpu.memory_space<hbm>> -> memref<1000000xf32, #tpu.memory_space<hbm>>
    tpu.wait_indirect_dma semaphore(%arg20 : memref<!tpu.dma_semaphore, #tpu.memory_space<semaphore_mem>>) src(%dma_wait3A_114 : memref<1000000xf32, #tpu.memory_space<hbm>>) dst(%dma_wait3A_109 : memref<128xf32, #tpu.memory_space<vmem>>)
    %dma_wait3A_115 = arith.constant 3 : i32
    %dma_wait3A_116 = arith.constant 384 : i32
    %dma_wait3A_117 = tpu.memref_slice %arg10[%dma_wait3A_116] : memref<512xf32, #tpu.memory_space<vmem>> -> memref<128xf32, #tpu.memory_space<vmem>>
    %dma_wait3A_118 = arith.constant 0 : i32
    %dma_wait3A_119 = tpu.memref_slice %arg8[%dma_wait3A_115, %dma_wait3A_118] : memref<4x128xi32, #tpu.memory_space<vmem>> -> memref<1x128xi32, #tpu.memory_space<vmem>>
    %dma_wait3A_120 = tpu.memref_squeeze %dma_wait3A_119 : memref<1x128xi32, #tpu.memory_space<vmem>> -> memref<128xi32, #tpu.memory_space<vmem>>
    %dma_wait3A_121 = arith.constant 0 : i32
    %dma_wait3A_122 = tpu.memref_slice %arg5[%dma_wait3A_121] : memref<1000000xf32, #tpu.memory_space<hbm>> -> memref<1000000xf32, #tpu.memory_space<hbm>>
    tpu.wait_indirect_dma semaphore(%arg17 : memref<!tpu.dma_semaphore, #tpu.memory_space<semaphore_mem>>) src(%dma_wait3A_122 : memref<1000000xf32, #tpu.memory_space<hbm>>) dst(%dma_wait3A_117 : memref<128xf32, #tpu.memory_space<vmem>>)
    %dma_wait3A_123 = arith.constant 3 : i32
    %dma_wait3A_124 = arith.constant 384 : i32
    %dma_wait3A_125 = tpu.memref_slice %arg11[%dma_wait3A_124] : memref<512xf32, #tpu.memory_space<vmem>> -> memref<128xf32, #tpu.memory_space<vmem>>
    %dma_wait3A_126 = arith.constant 0 : i32
    %dma_wait3A_127 = tpu.memref_slice %arg9[%dma_wait3A_123, %dma_wait3A_126] : memref<4x128xi32, #tpu.memory_space<vmem>> -> memref<1x128xi32, #tpu.memory_space<vmem>>
    %dma_wait3A_128 = tpu.memref_squeeze %dma_wait3A_127 : memref<1x128xi32, #tpu.memory_space<vmem>> -> memref<128xi32, #tpu.memory_space<vmem>>
    %dma_wait3A_129 = arith.constant 0 : i32
    %dma_wait3A_130 = tpu.memref_slice %arg6[%dma_wait3A_129] : memref<1000000xf32, #tpu.memory_space<hbm>> -> memref<1000000xf32, #tpu.memory_space<hbm>>
    tpu.wait_indirect_dma semaphore(%arg21 : memref<!tpu.dma_semaphore, #tpu.memory_space<semaphore_mem>>) src(%dma_wait3A_130 : memref<1000000xf32, #tpu.memory_space<hbm>>) dst(%dma_wait3A_125 : memref<128xf32, #tpu.memory_space<vmem>>)
    %get3A = arith.constant 0 : index
    %get3A_131 = tpu.vector_load %arg12[%get3A] {strides = array<i32>} : memref<16xf32, #tpu.memory_space<vmem>>, vector<16xf32>,
    %get3A_132 = arith.constant 0 : index
    %get3A_133 = tpu.vector_load %arg10[%get3A_132] {strides = array<i32>} : memref<512xf32, #tpu.memory_space<vmem>>, vector<16xf32>,
    %get3A_134 = arith.constant 0 : index
    %get3A_135 = tpu.vector_load %arg11[%get3A_134] {strides = array<i32>} : memref<512xf32, #tpu.memory_space<vmem>>, vector<16xf32>,
    %add3A_136 = arith.addf %get3A_133, %get3A_135 : vector<16xf32>
    %add3A_137 = arith.addf %add3A_136, %get3A_131 : vector<16xf32>
    %neg3A = arith.constant 0.000000e+00 : f32
    %neg3A_138 = vector.broadcast %neg3A : f32 to vector<16xf32>
    %neg3A_139 = arith.subf %neg3A_138, %add3A_137 : vector<16xf32>
    %exp3A = math.exp %neg3A_139 : vector<16xf32>
    %add3A_140 = arith.constant 1.000000e+00 : f32
    %add3A_141 = vector.broadcast %add3A_140 : f32 to vector<16xf32>
    %add3A_142 = arith.addf %add3A_141, %exp3A : vector<16xf32>
    %div3A = arith.constant 1.000000e+00 : f32
    %div3A_143 = vector.broadcast %div3A : f32 to vector<16xf32>
    %div3A_144 = arith.divf %div3A_143, %add3A_142 : vector<16xf32>
    %swap3A = arith.constant 0 : index
    %swap3A_145 = tpu.vector_load %arg13[%swap3A] {strides = array<i32>} : memref<512xf32, #tpu.memory_space<vmem>>, vector<16xf32>,
    tpu.vector_store %arg13[%swap3A], %div3A_144 {strides = array<i32>} : memref<512xf32, #tpu.memory_space<vmem>>, vector<16xf32>,
    %get3A_146 = arith.constant 16 : index
    %get3A_147 = tpu.vector_load %arg10[%get3A_146] {strides = array<i32>} : memref<512xf32, #tpu.memory_space<vmem>>, vector<16xf32>,
    %get3A_148 = arith.constant 16 : index
    %get3A_149 = tpu.vector_load %arg11[%get3A_148] {strides = array<i32>} : memref<512xf32, #tpu.memory_space<vmem>>, vector<16xf32>,
    %add3A_150 = arith.addf %get3A_147, %get3A_149 : vector<16xf32>
    %add3A_151 = arith.addf %add3A_150, %get3A_131 : vector<16xf32>
    %neg3A_152 = arith.constant 0.000000e+00 : f32
    %neg3A_153 = vector.broadcast %neg3A_152 : f32 to vector<16xf32>
    %neg3A_154 = arith.subf %neg3A_153, %add3A_151 : vector<16xf32>
    %exp3A_155 = math.exp %neg3A_154 : vector<16xf32>
    %add3A_156 = arith.constant 1.000000e+00 : f32
    %add3A_157 = vector.broadcast %add3A_156 : f32 to vector<16xf32>
    %add3A_158 = arith.addf %add3A_157, %exp3A_155 : vector<16xf32>
    %div3A_159 = arith.constant 1.000000e+00 : f32
    %div3A_160 = vector.broadcast %div3A_159 : f32 to vector<16xf32>
    %div3A_161 = arith.divf %div3A_160, %add3A_158 : vector<16xf32>
    %swap3A_162 = arith.constant 16 : index
    %swap3A_163 = tpu.vector_load %arg13[%swap3A_162] {strides = array<i32>} : memref<512xf32, #tpu.memory_space<vmem>>, vector<16xf32>,
    tpu.vector_store %arg13[%swap3A_162], %div3A_161 {strides = array<i32>} : memref<512xf32, #tpu.memory_space<vmem>>, vector<16xf32>,
    %get3A_164 = arith.constant 32 : index
    %get3A_165 = tpu.vector_load %arg10[%get3A_164] {strides = array<i32>} : memref<512xf32, #tpu.memory_space<vmem>>, vector<16xf32>,
    %get3A_166 = arith.constant 32 : index
    %get3A_167 = tpu.vector_load %arg11[%get3A_166] {strides = array<i32>} : memref<512xf32, #tpu.memory_space<vmem>>, vector<16xf32>,
    %add3A_168 = arith.addf %get3A_165, %get3A_167 : vector<16xf32>
    %add3A_169 = arith.addf %add3A_168, %get3A_131 : vector<16xf32>
    %neg3A_170 = arith.constant 0.000000e+00 : f32
    %neg3A_171 = vector.broadcast %neg3A_170 : f32 to vector<16xf32>
    %neg3A_172 = arith.subf %neg3A_171, %add3A_169 : vector<16xf32>
    %exp3A_173 = math.exp %neg3A_172 : vector<16xf32>
    %add3A_174 = arith.constant 1.000000e+00 : f32
    %add3A_175 = vector.broadcast %add3A_174 : f32 to vector<16xf32>
    %add3A_176 = arith.addf %add3A_175, %exp3A_173 : vector<16xf32>
    %div3A_177 = arith.constant 1.000000e+00 : f32
    %div3A_178 = vector.broadcast %div3A_177 : f32 to vector<16xf32>
    %div3A_179 = arith.divf %div3A_178, %add3A_176 : vector<16xf32>
    %swap3A_180 = arith.constant 32 : index
    %swap3A_181 = tpu.vector_load %arg13[%swap3A_180] {strides = array<i32>} : memref<512xf32, #tpu.memory_space<vmem>>, vector<16xf32>,
    tpu.vector_store %arg13[%swap3A_180], %div3A_179 {strides = array<i32>} : memref<512xf32, #tpu.memory_space<vmem>>, vector<16xf32>,
    %get3A_182 = arith.constant 48 : index
    %get3A_183 = tpu.vector_load %arg10[%get3A_182] {strides = array<i32>} : memref<512xf32, #tpu.memory_space<vmem>>, vector<16xf32>,
    %get3A_184 = arith.constant 48 : index
    %get3A_185 = tpu.vector_load %arg11[%get3A_184] {strides = array<i32>} : memref<512xf32, #tpu.memory_space<vmem>>, vector<16xf32>,
    %add3A_186 = arith.addf %get3A_183, %get3A_185 : vector<16xf32>
    %add3A_187 = arith.addf %add3A_186, %get3A_131 : vector<16xf32>
    %neg3A_188 = arith.constant 0.000000e+00 : f32
    %neg3A_189 = vector.broadcast %neg3A_188 : f32 to vector<16xf32>
    %neg3A_190 = arith.subf %neg3A_189, %add3A_187 : vector<16xf32>
    %exp3A_191 = math.exp %neg3A_190 : vector<16xf32>
    %add3A_192 = arith.constant 1.000000e+00 : f32
    %add3A_193 = vector.broadcast %add3A_192 : f32 to vector<16xf32>
    %add3A_194 = arith.addf %add3A_193, %exp3A_191 : vector<16xf32>
    %div3A_195 = arith.constant 1.000000e+00 : f32
    %div3A_196 = vector.broadcast %div3A_195 : f32 to vector<16xf32>
    %div3A_197 = arith.divf %div3A_196, %add3A_194 : vector<16xf32>
    %swap3A_198 = arith.constant 48 : index
    %swap3A_199 = tpu.vector_load %arg13[%swap3A_198] {strides = array<i32>} : memref<512xf32, #tpu.memory_space<vmem>>, vector<16xf32>,
    tpu.vector_store %arg13[%swap3A_198], %div3A_197 {strides = array<i32>} : memref<512xf32, #tpu.memory_space<vmem>>, vector<16xf32>,
    %get3A_200 = arith.constant 64 : index
    %get3A_201 = tpu.vector_load %arg10[%get3A_200] {strides = array<i32>} : memref<512xf32, #tpu.memory_space<vmem>>, vector<16xf32>,
    %get3A_202 = arith.constant 64 : index
    %get3A_203 = tpu.vector_load %arg11[%get3A_202] {strides = array<i32>} : memref<512xf32, #tpu.memory_space<vmem>>, vector<16xf32>,
    %add3A_204 = arith.addf %get3A_201, %get3A_203 : vector<16xf32>
    %add3A_205 = arith.addf %add3A_204, %get3A_131 : vector<16xf32>
    %neg3A_206 = arith.constant 0.000000e+00 : f32
    %neg3A_207 = vector.broadcast %neg3A_206 : f32 to vector<16xf32>
    %neg3A_208 = arith.subf %neg3A_207, %add3A_205 : vector<16xf32>
    %exp3A_209 = math.exp %neg3A_208 : vector<16xf32>
    %add3A_210 = arith.constant 1.000000e+00 : f32
    %add3A_211 = vector.broadcast %add3A_210 : f32 to vector<16xf32>
    %add3A_212 = arith.addf %add3A_211, %exp3A_209 : vector<16xf32>
    %div3A_213 = arith.constant 1.000000e+00 : f32
    %div3A_214 = vector.broadcast %div3A_213 : f32 to vector<16xf32>
    %div3A_215 = arith.divf %div3A_214, %add3A_212 : vector<16xf32>
    %swap3A_216 = arith.constant 64 : index
    %swap3A_217 = tpu.vector_load %arg13[%swap3A_216] {strides = array<i32>} : memref<512xf32, #tpu.memory_space<vmem>>, vector<16xf32>,
    tpu.vector_store %arg13[%swap3A_216], %div3A_215 {strides = array<i32>} : memref<512xf32, #tpu.memory_space<vmem>>, vector<16xf32>,
    %get3A_218 = arith.constant 80 : index
    %get3A_219 = tpu.vector_load %arg10[%get3A_218] {strides = array<i32>} : memref<512xf32, #tpu.memory_space<vmem>>, vector<16xf32>,
    %get3A_220 = arith.constant 80 : index
    %get3A_221 = tpu.vector_load %arg11[%get3A_220] {strides = array<i32>} : memref<512xf32, #tpu.memory_space<vmem>>, vector<16xf32>,
    %add3A_222 = arith.addf %get3A_219, %get3A_221 : vector<16xf32>
    %add3A_223 = arith.addf %add3A_222, %get3A_131 : vector<16xf32>
    %neg3A_224 = arith.constant 0.000000e+00 : f32
    %neg3A_225 = vector.broadcast %neg3A_224 : f32 to vector<16xf32>
    %neg3A_226 = arith.subf %neg3A_225, %add3A_223 : vector<16xf32>
    %exp3A_227 = math.exp %neg3A_226 : vector<16xf32>
    %add3A_228 = arith.constant 1.000000e+00 : f32
    %add3A_229 = vector.broadcast %add3A_228 : f32 to vector<16xf32>
    %add3A_230 = arith.addf %add3A_229, %exp3A_227 : vector<16xf32>
    %div3A_231 = arith.constant 1.000000e+00 : f32
    %div3A_232 = vector.broadcast %div3A_231 : f32 to vector<16xf32>
    %div3A_233 = arith.divf %div3A_232, %add3A_230 : vector<16xf32>
    %swap3A_234 = arith.constant 80 : index
    %swap3A_235 = tpu.vector_load %arg13[%swap3A_234] {strides = array<i32>} : memref<512xf32, #tpu.memory_space<vmem>>, vector<16xf32>,
    tpu.vector_store %arg13[%swap3A_234], %div3A_233 {strides = array<i32>} : memref<512xf32, #tpu.memory_space<vmem>>, vector<16xf32>,
    %get3A_236 = arith.constant 96 : index
    %get3A_237 = tpu.vector_load %arg10[%get3A_236] {strides = array<i32>} : memref<512xf32, #tpu.memory_space<vmem>>, vector<16xf32>,
    %get3A_238 = arith.constant 96 : index
    %get3A_239 = tpu.vector_load %arg11[%get3A_238] {strides = array<i32>} : memref<512xf32, #tpu.memory_space<vmem>>, vector<16xf32>,
    %add3A_240 = arith.addf %get3A_237, %get3A_239 : vector<16xf32>
    %add3A_241 = arith.addf %add3A_240, %get3A_131 : vector<16xf32>
    %neg3A_242 = arith.constant 0.000000e+00 : f32
    %neg3A_243 = vector.broadcast %neg3A_242 : f32 to vector<16xf32>
    %neg3A_244 = arith.subf %neg3A_243, %add3A_241 : vector<16xf32>
    %exp3A_245 = math.exp %neg3A_244 : vector<16xf32>
    %add3A_246 = arith.constant 1.000000e+00 : f32
    %add3A_247 = vector.broadcast %add3A_246 : f32 to vector<16xf32>
    %add3A_248 = arith.addf %add3A_247, %exp3A_245 : vector<16xf32>
    %div3A_249 = arith.constant 1.000000e+00 : f32
    %div3A_250 = vector.broadcast %div3A_249 : f32 to vector<16xf32>
    %div3A_251 = arith.divf %div3A_250, %add3A_248 : vector<16xf32>
    %swap3A_252 = arith.constant 96 : index
    %swap3A_253 = tpu.vector_load %arg13[%swap3A_252] {strides = array<i32>} : memref<512xf32, #tpu.memory_space<vmem>>, vector<16xf32>,
    tpu.vector_store %arg13[%swap3A_252], %div3A_251 {strides = array<i32>} : memref<512xf32, #tpu.memory_space<vmem>>, vector<16xf32>,
    %get3A_254 = arith.constant 112 : index
    %get3A_255 = tpu.vector_load %arg10[%get3A_254] {strides = array<i32>} : memref<512xf32, #tpu.memory_space<vmem>>, vector<16xf32>,
    %get3A_256 = arith.constant 112 : index
    %get3A_257 = tpu.vector_load %arg11[%get3A_256] {strides = array<i32>} : memref<512xf32, #tpu.memory_space<vmem>>, vector<16xf32>,
    %add3A_258 = arith.addf %get3A_255, %get3A_257 : vector<16xf32>
    %add3A_259 = arith.addf %add3A_258, %get3A_131 : vector<16xf32>
    %neg3A_260 = arith.constant 0.000000e+00 : f32
    %neg3A_261 = vector.broadcast %neg3A_260 : f32 to vector<16xf32>
    %neg3A_262 = arith.subf %neg3A_261, %add3A_259 : vector<16xf32>
    %exp3A_263 = math.exp %neg3A_262 : vector<16xf32>
    %add3A_264 = arith.constant 1.000000e+00 : f32
    %add3A_265 = vector.broadcast %add3A_264 : f32 to vector<16xf32>
    %add3A_266 = arith.addf %add3A_265, %exp3A_263 : vector<16xf32>
    %div3A_267 = arith.constant 1.000000e+00 : f32
    %div3A_268 = vector.broadcast %div3A_267 : f32 to vector<16xf32>
    %div3A_269 = arith.divf %div3A_268, %add3A_266 : vector<16xf32>
    %swap3A_270 = arith.constant 112 : index
    %swap3A_271 = tpu.vector_load %arg13[%swap3A_270] {strides = array<i32>} : memref<512xf32, #tpu.memory_space<vmem>>, vector<16xf32>,
    tpu.vector_store %arg13[%swap3A_270], %div3A_269 {strides = array<i32>} : memref<512xf32, #tpu.memory_space<vmem>>, vector<16xf32>,
    %get3A_272 = arith.constant 128 : index
    %get3A_273 = tpu.vector_load %arg10[%get3A_272] {strides = array<i32>} : memref<512xf32, #tpu.memory_space<vmem>>, vector<16xf32>,
    %get3A_274 = arith.constant 128 : index
    %get3A_275 = tpu.vector_load %arg11[%get3A_274] {strides = array<i32>} : memref<512xf32, #tpu.memory_space<vmem>>, vector<16xf32>,
    %add3A_276 = arith.addf %get3A_273, %get3A_275 : vector<16xf32>
    %add3A_277 = arith.addf %add3A_276, %get3A_131 : vector<16xf32>
    %neg3A_278 = arith.constant 0.000000e+00 : f32
    %neg3A_279 = vector.broadcast %neg3A_278 : f32 to vector<16xf32>
    %neg3A_280 = arith.subf %neg3A_279, %add3A_277 : vector<16xf32>
    %exp3A_281 = math.exp %neg3A_280 : vector<16xf32>
    %add3A_282 = arith.constant 1.000000e+00 : f32
    %add3A_283 = vector.broadcast %add3A_282 : f32 to vector<16xf32>
    %add3A_284 = arith.addf %add3A_283, %exp3A_281 : vector<16xf32>
    %div3A_285 = arith.constant 1.000000e+00 : f32
    %div3A_286 = vector.broadcast %div3A_285 : f32 to vector<16xf32>
    %div3A_287 = arith.divf %div3A_286, %add3A_284 : vector<16xf32>
    %swap3A_288 = arith.constant 128 : index
    %swap3A_289 = tpu.vector_load %arg13[%swap3A_288] {strides = array<i32>} : memref<512xf32, #tpu.memory_space<vmem>>, vector<16xf32>,
    tpu.vector_store %arg13[%swap3A_288], %div3A_287 {strides = array<i32>} : memref<512xf32, #tpu.memory_space<vmem>>, vector<16xf32>,
    %get3A_290 = arith.constant 144 : index
    %get3A_291 = tpu.vector_load %arg10[%get3A_290] {strides = array<i32>} : memref<512xf32, #tpu.memory_space<vmem>>, vector<16xf32>,
    %get3A_292 = arith.constant 144 : index
    %get3A_293 = tpu.vector_load %arg11[%get3A_292] {strides = array<i32>} : memref<512xf32, #tpu.memory_space<vmem>>, vector<16xf32>,
    %add3A_294 = arith.addf %get3A_291, %get3A_293 : vector<16xf32>
    %add3A_295 = arith.addf %add3A_294, %get3A_131 : vector<16xf32>
    %neg3A_296 = arith.constant 0.000000e+00 : f32
    %neg3A_297 = vector.broadcast %neg3A_296 : f32 to vector<16xf32>
    %neg3A_298 = arith.subf %neg3A_297, %add3A_295 : vector<16xf32>
    %exp3A_299 = math.exp %neg3A_298 : vector<16xf32>
    %add3A_300 = arith.constant 1.000000e+00 : f32
    %add3A_301 = vector.broadcast %add3A_300 : f32 to vector<16xf32>
    %add3A_302 = arith.addf %add3A_301, %exp3A_299 : vector<16xf32>
    %div3A_303 = arith.constant 1.000000e+00 : f32
    %div3A_304 = vector.broadcast %div3A_303 : f32 to vector<16xf32>
    %div3A_305 = arith.divf %div3A_304, %add3A_302 : vector<16xf32>
    %swap3A_306 = arith.constant 144 : index
    %swap3A_307 = tpu.vector_load %arg13[%swap3A_306] {strides = array<i32>} : memref<512xf32, #tpu.memory_space<vmem>>, vector<16xf32>,
    tpu.vector_store %arg13[%swap3A_306], %div3A_305 {strides = array<i32>} : memref<512xf32, #tpu.memory_space<vmem>>, vector<16xf32>,
    %get3A_308 = arith.constant 160 : index
    %get3A_309 = tpu.vector_load %arg10[%get3A_308] {strides = array<i32>} : memref<512xf32, #tpu.memory_space<vmem>>, vector<16xf32>,
    %get3A_310 = arith.constant 160 : index
    %get3A_311 = tpu.vector_load %arg11[%get3A_310] {strides = array<i32>} : memref<512xf32, #tpu.memory_space<vmem>>, vector<16xf32>,
    %add3A_312 = arith.addf %get3A_309, %get3A_311 : vector<16xf32>
    %add3A_313 = arith.addf %add3A_312, %get3A_131 : vector<16xf32>
    %neg3A_314 = arith.constant 0.000000e+00 : f32
    %neg3A_315 = vector.broadcast %neg3A_314 : f32 to vector<16xf32>
    %neg3A_316 = arith.subf %neg3A_315, %add3A_313 : vector<16xf32>
    %exp3A_317 = math.exp %neg3A_316 : vector<16xf32>
    %add3A_318 = arith.constant 1.000000e+00 : f32
    %add3A_319 = vector.broadcast %add3A_318 : f32 to vector<16xf32>
    %add3A_320 = arith.addf %add3A_319, %exp3A_317 : vector<16xf32>
    %div3A_321 = arith.constant 1.000000e+00 : f32
    %div3A_322 = vector.broadcast %div3A_321 : f32 to vector<16xf32>
    %div3A_323 = arith.divf %div3A_322, %add3A_320 : vector<16xf32>
    %swap3A_324 = arith.constant 160 : index
    %swap3A_325 = tpu.vector_load %arg13[%swap3A_324] {strides = array<i32>} : memref<512xf32, #tpu.memory_space<vmem>>, vector<16xf32>,
    tpu.vector_store %arg13[%swap3A_324], %div3A_323 {strides = array<i32>} : memref<512xf32, #tpu.memory_space<vmem>>, vector<16xf32>,
    %get3A_326 = arith.constant 176 : index
    %get3A_327 = tpu.vector_load %arg10[%get3A_326] {strides = array<i32>} : memref<512xf32, #tpu.memory_space<vmem>>, vector<16xf32>,
    %get3A_328 = arith.constant 176 : index
    %get3A_329 = tpu.vector_load %arg11[%get3A_328] {strides = array<i32>} : memref<512xf32, #tpu.memory_space<vmem>>, vector<16xf32>,
    %add3A_330 = arith.addf %get3A_327, %get3A_329 : vector<16xf32>
    %add3A_331 = arith.addf %add3A_330, %get3A_131 : vector<16xf32>
    %neg3A_332 = arith.constant 0.000000e+00 : f32
    %neg3A_333 = vector.broadcast %neg3A_332 : f32 to vector<16xf32>
    %neg3A_334 = arith.subf %neg3A_333, %add3A_331 : vector<16xf32>
    %exp3A_335 = math.exp %neg3A_334 : vector<16xf32>
    %add3A_336 = arith.constant 1.000000e+00 : f32
    %add3A_337 = vector.broadcast %add3A_336 : f32 to vector<16xf32>
    %add3A_338 = arith.addf %add3A_337, %exp3A_335 : vector<16xf32>
    %div3A_339 = arith.constant 1.000000e+00 : f32
    %div3A_340 = vector.broadcast %div3A_339 : f32 to vector<16xf32>
    %div3A_341 = arith.divf %div3A_340, %add3A_338 : vector<16xf32>
    %swap3A_342 = arith.constant 176 : index
    %swap3A_343 = tpu.vector_load %arg13[%swap3A_342] {strides = array<i32>} : memref<512xf32, #tpu.memory_space<vmem>>, vector<16xf32>,
    tpu.vector_store %arg13[%swap3A_342], %div3A_341 {strides = array<i32>} : memref<512xf32, #tpu.memory_space<vmem>>, vector<16xf32>,
    %get3A_344 = arith.constant 192 : index
    %get3A_345 = tpu.vector_load %arg10[%get3A_344] {strides = array<i32>} : memref<512xf32, #tpu.memory_space<vmem>>, vector<16xf32>,
    %get3A_346 = arith.constant 192 : index
    %get3A_347 = tpu.vector_load %arg11[%get3A_346] {strides = array<i32>} : memref<512xf32, #tpu.memory_space<vmem>>, vector<16xf32>,
    %add3A_348 = arith.addf %get3A_345, %get3A_347 : vector<16xf32>
    %add3A_349 = arith.addf %add3A_348, %get3A_131 : vector<16xf32>
    %neg3A_350 = arith.constant 0.000000e+00 : f32
    %neg3A_351 = vector.broadcast %neg3A_350 : f32 to vector<16xf32>
    %neg3A_352 = arith.subf %neg3A_351, %add3A_349 : vector<16xf32>
    %exp3A_353 = math.exp %neg3A_352 : vector<16xf32>
    %add3A_354 = arith.constant 1.000000e+00 : f32
    %add3A_355 = vector.broadcast %add3A_354 : f32 to vector<16xf32>
    %add3A_356 = arith.addf %add3A_355, %exp3A_353 : vector<16xf32>
    %div3A_357 = arith.constant 1.000000e+00 : f32
    %div3A_358 = vector.broadcast %div3A_357 : f32 to vector<16xf32>
    %div3A_359 = arith.divf %div3A_358, %add3A_356 : vector<16xf32>
    %swap3A_360 = arith.constant 192 : index
    %swap3A_361 = tpu.vector_load %arg13[%swap3A_360] {strides = array<i32>} : memref<512xf32, #tpu.memory_space<vmem>>, vector<16xf32>,
    tpu.vector_store %arg13[%swap3A_360], %div3A_359 {strides = array<i32>} : memref<512xf32, #tpu.memory_space<vmem>>, vector<16xf32>,
    %get3A_362 = arith.constant 208 : index
    %get3A_363 = tpu.vector_load %arg10[%get3A_362] {strides = array<i32>} : memref<512xf32, #tpu.memory_space<vmem>>, vector<16xf32>,
    %get3A_364 = arith.constant 208 : index
    %get3A_365 = tpu.vector_load %arg11[%get3A_364] {strides = array<i32>} : memref<512xf32, #tpu.memory_space<vmem>>, vector<16xf32>,
    %add3A_366 = arith.addf %get3A_363, %get3A_365 : vector<16xf32>
    %add3A_367 = arith.addf %add3A_366, %get3A_131 : vector<16xf32>
    %neg3A_368 = arith.constant 0.000000e+00 : f32
    %neg3A_369 = vector.broadcast %neg3A_368 : f32 to vector<16xf32>
    %neg3A_370 = arith.subf %neg3A_369, %add3A_367 : vector<16xf32>
    %exp3A_371 = math.exp %neg3A_370 : vector<16xf32>
    %add3A_372 = arith.constant 1.000000e+00 : f32
    %add3A_373 = vector.broadcast %add3A_372 : f32 to vector<16xf32>
    %add3A_374 = arith.addf %add3A_373, %exp3A_371 : vector<16xf32>
    %div3A_375 = arith.constant 1.000000e+00 : f32
    %div3A_376 = vector.broadcast %div3A_375 : f32 to vector<16xf32>
    %div3A_377 = arith.divf %div3A_376, %add3A_374 : vector<16xf32>
    %swap3A_378 = arith.constant 208 : index
    %swap3A_379 = tpu.vector_load %arg13[%swap3A_378] {strides = array<i32>} : memref<512xf32, #tpu.memory_space<vmem>>, vector<16xf32>,
    tpu.vector_store %arg13[%swap3A_378], %div3A_377 {strides = array<i32>} : memref<512xf32, #tpu.memory_space<vmem>>, vector<16xf32>,
    %get3A_380 = arith.constant 224 : index
    %get3A_381 = tpu.vector_load %arg10[%get3A_380] {strides = array<i32>} : memref<512xf32, #tpu.memory_space<vmem>>, vector<16xf32>,
    %get3A_382 = arith.constant 224 : index
    %get3A_383 = tpu.vector_load %arg11[%get3A_382] {strides = array<i32>} : memref<512xf32, #tpu.memory_space<vmem>>, vector<16xf32>,
    %add3A_384 = arith.addf %get3A_381, %get3A_383 : vector<16xf32>
    %add3A_385 = arith.addf %add3A_384, %get3A_131 : vector<16xf32>
    %neg3A_386 = arith.constant 0.000000e+00 : f32
    %neg3A_387 = vector.broadcast %neg3A_386 : f32 to vector<16xf32>
    %neg3A_388 = arith.subf %neg3A_387, %add3A_385 : vector<16xf32>
    %exp3A_389 = math.exp %neg3A_388 : vector<16xf32>
    %add3A_390 = arith.constant 1.000000e+00 : f32
    %add3A_391 = vector.broadcast %add3A_390 : f32 to vector<16xf32>
    %add3A_392 = arith.addf %add3A_391, %exp3A_389 : vector<16xf32>
    %div3A_393 = arith.constant 1.000000e+00 : f32
    %div3A_394 = vector.broadcast %div3A_393 : f32 to vector<16xf32>
    %div3A_395 = arith.divf %div3A_394, %add3A_392 : vector<16xf32>
    %swap3A_396 = arith.constant 224 : index
    %swap3A_397 = tpu.vector_load %arg13[%swap3A_396] {strides = array<i32>} : memref<512xf32, #tpu.memory_space<vmem>>, vector<16xf32>,
    tpu.vector_store %arg13[%swap3A_396], %div3A_395 {strides = array<i32>} : memref<512xf32, #tpu.memory_space<vmem>>, vector<16xf32>,
    %get3A_398 = arith.constant 240 : index
    %get3A_399 = tpu.vector_load %arg10[%get3A_398] {strides = array<i32>} : memref<512xf32, #tpu.memory_space<vmem>>, vector<16xf32>,
    %get3A_400 = arith.constant 240 : index
    %get3A_401 = tpu.vector_load %arg11[%get3A_400] {strides = array<i32>} : memref<512xf32, #tpu.memory_space<vmem>>, vector<16xf32>,
    %add3A_402 = arith.addf %get3A_399, %get3A_401 : vector<16xf32>
    %add3A_403 = arith.addf %add3A_402, %get3A_131 : vector<16xf32>
    %neg3A_404 = arith.constant 0.000000e+00 : f32
    %neg3A_405 = vector.broadcast %neg3A_404 : f32 to vector<16xf32>
    %neg3A_406 = arith.subf %neg3A_405, %add3A_403 : vector<16xf32>
    %exp3A_407 = math.exp %neg3A_406 : vector<16xf32>
    %add3A_408 = arith.constant 1.000000e+00 : f32
    %add3A_409 = vector.broadcast %add3A_408 : f32 to vector<16xf32>
    %add3A_410 = arith.addf %add3A_409, %exp3A_407 : vector<16xf32>
    %div3A_411 = arith.constant 1.000000e+00 : f32
    %div3A_412 = vector.broadcast %div3A_411 : f32 to vector<16xf32>
    %div3A_413 = arith.divf %div3A_412, %add3A_410 : vector<16xf32>
    %swap3A_414 = arith.constant 240 : index
    %swap3A_415 = tpu.vector_load %arg13[%swap3A_414] {strides = array<i32>} : memref<512xf32, #tpu.memory_space<vmem>>, vector<16xf32>,
    tpu.vector_store %arg13[%swap3A_414], %div3A_413 {strides = array<i32>} : memref<512xf32, #tpu.memory_space<vmem>>, vector<16xf32>,
    %get3A_416 = arith.constant 256 : index
    %get3A_417 = tpu.vector_load %arg10[%get3A_416] {strides = array<i32>} : memref<512xf32, #tpu.memory_space<vmem>>, vector<16xf32>,
    %get3A_418 = arith.constant 256 : index
    %get3A_419 = tpu.vector_load %arg11[%get3A_418] {strides = array<i32>} : memref<512xf32, #tpu.memory_space<vmem>>, vector<16xf32>,
    %add3A_420 = arith.addf %get3A_417, %get3A_419 : vector<16xf32>
    %add3A_421 = arith.addf %add3A_420, %get3A_131 : vector<16xf32>
    %neg3A_422 = arith.constant 0.000000e+00 : f32
    %neg3A_423 = vector.broadcast %neg3A_422 : f32 to vector<16xf32>
    %neg3A_424 = arith.subf %neg3A_423, %add3A_421 : vector<16xf32>
    %exp3A_425 = math.exp %neg3A_424 : vector<16xf32>
    %add3A_426 = arith.constant 1.000000e+00 : f32
    %add3A_427 = vector.broadcast %add3A_426 : f32 to vector<16xf32>
    %add3A_428 = arith.addf %add3A_427, %exp3A_425 : vector<16xf32>
    %div3A_429 = arith.constant 1.000000e+00 : f32
    %div3A_430 = vector.broadcast %div3A_429 : f32 to vector<16xf32>
    %div3A_431 = arith.divf %div3A_430, %add3A_428 : vector<16xf32>
    %swap3A_432 = arith.constant 256 : index
    %swap3A_433 = tpu.vector_load %arg13[%swap3A_432] {strides = array<i32>} : memref<512xf32, #tpu.memory_space<vmem>>, vector<16xf32>,
    tpu.vector_store %arg13[%swap3A_432], %div3A_431 {strides = array<i32>} : memref<512xf32, #tpu.memory_space<vmem>>, vector<16xf32>,
    %get3A_434 = arith.constant 272 : index
    %get3A_435 = tpu.vector_load %arg10[%get3A_434] {strides = array<i32>} : memref<512xf32, #tpu.memory_space<vmem>>, vector<16xf32>,
    %get3A_436 = arith.constant 272 : index
    %get3A_437 = tpu.vector_load %arg11[%get3A_436] {strides = array<i32>} : memref<512xf32, #tpu.memory_space<vmem>>, vector<16xf32>,
    %add3A_438 = arith.addf %get3A_435, %get3A_437 : vector<16xf32>
    %add3A_439 = arith.addf %add3A_438, %get3A_131 : vector<16xf32>
    %neg3A_440 = arith.constant 0.000000e+00 : f32
    %neg3A_441 = vector.broadcast %neg3A_440 : f32 to vector<16xf32>
    %neg3A_442 = arith.subf %neg3A_441, %add3A_439 : vector<16xf32>
    %exp3A_443 = math.exp %neg3A_442 : vector<16xf32>
    %add3A_444 = arith.constant 1.000000e+00 : f32
    %add3A_445 = vector.broadcast %add3A_444 : f32 to vector<16xf32>
    %add3A_446 = arith.addf %add3A_445, %exp3A_443 : vector<16xf32>
    %div3A_447 = arith.constant 1.000000e+00 : f32
    %div3A_448 = vector.broadcast %div3A_447 : f32 to vector<16xf32>
    %div3A_449 = arith.divf %div3A_448, %add3A_446 : vector<16xf32>
    %swap3A_450 = arith.constant 272 : index
    %swap3A_451 = tpu.vector_load %arg13[%swap3A_450] {strides = array<i32>} : memref<512xf32, #tpu.memory_space<vmem>>, vector<16xf32>,
    tpu.vector_store %arg13[%swap3A_450], %div3A_449 {strides = array<i32>} : memref<512xf32, #tpu.memory_space<vmem>>, vector<16xf32>,
    %get3A_452 = arith.constant 288 : index
    %get3A_453 = tpu.vector_load %arg10[%get3A_452] {strides = array<i32>} : memref<512xf32, #tpu.memory_space<vmem>>, vector<16xf32>,
    %get3A_454 = arith.constant 288 : index
    %get3A_455 = tpu.vector_load %arg11[%get3A_454] {strides = array<i32>} : memref<512xf32, #tpu.memory_space<vmem>>, vector<16xf32>,
    %add3A_456 = arith.addf %get3A_453, %get3A_455 : vector<16xf32>
    %add3A_457 = arith.addf %add3A_456, %get3A_131 : vector<16xf32>
    %neg3A_458 = arith.constant 0.000000e+00 : f32
    %neg3A_459 = vector.broadcast %neg3A_458 : f32 to vector<16xf32>
    %neg3A_460 = arith.subf %neg3A_459, %add3A_457 : vector<16xf32>
    %exp3A_461 = math.exp %neg3A_460 : vector<16xf32>
    %add3A_462 = arith.constant 1.000000e+00 : f32
    %add3A_463 = vector.broadcast %add3A_462 : f32 to vector<16xf32>
    %add3A_464 = arith.addf %add3A_463, %exp3A_461 : vector<16xf32>
    %div3A_465 = arith.constant 1.000000e+00 : f32
    %div3A_466 = vector.broadcast %div3A_465 : f32 to vector<16xf32>
    %div3A_467 = arith.divf %div3A_466, %add3A_464 : vector<16xf32>
    %swap3A_468 = arith.constant 288 : index
    %swap3A_469 = tpu.vector_load %arg13[%swap3A_468] {strides = array<i32>} : memref<512xf32, #tpu.memory_space<vmem>>, vector<16xf32>,
    tpu.vector_store %arg13[%swap3A_468], %div3A_467 {strides = array<i32>} : memref<512xf32, #tpu.memory_space<vmem>>, vector<16xf32>,
    %get3A_470 = arith.constant 304 : index
    %get3A_471 = tpu.vector_load %arg10[%get3A_470] {strides = array<i32>} : memref<512xf32, #tpu.memory_space<vmem>>, vector<16xf32>,
    %get3A_472 = arith.constant 304 : index
    %get3A_473 = tpu.vector_load %arg11[%get3A_472] {strides = array<i32>} : memref<512xf32, #tpu.memory_space<vmem>>, vector<16xf32>,
    %add3A_474 = arith.addf %get3A_471, %get3A_473 : vector<16xf32>
    %add3A_475 = arith.addf %add3A_474, %get3A_131 : vector<16xf32>
    %neg3A_476 = arith.constant 0.000000e+00 : f32
    %neg3A_477 = vector.broadcast %neg3A_476 : f32 to vector<16xf32>
    %neg3A_478 = arith.subf %neg3A_477, %add3A_475 : vector<16xf32>
    %exp3A_479 = math.exp %neg3A_478 : vector<16xf32>
    %add3A_480 = arith.constant 1.000000e+00 : f32
    %add3A_481 = vector.broadcast %add3A_480 : f32 to vector<16xf32>
    %add3A_482 = arith.addf %add3A_481, %exp3A_479 : vector<16xf32>
    %div3A_483 = arith.constant 1.000000e+00 : f32
    %div3A_484 = vector.broadcast %div3A_483 : f32 to vector<16xf32>
    %div3A_485 = arith.divf %div3A_484, %add3A_482 : vector<16xf32>
    %swap3A_486 = arith.constant 304 : index
    %swap3A_487 = tpu.vector_load %arg13[%swap3A_486] {strides = array<i32>} : memref<512xf32, #tpu.memory_space<vmem>>, vector<16xf32>,
    tpu.vector_store %arg13[%swap3A_486], %div3A_485 {strides = array<i32>} : memref<512xf32, #tpu.memory_space<vmem>>, vector<16xf32>,
    %get3A_488 = arith.constant 320 : index
    %get3A_489 = tpu.vector_load %arg10[%get3A_488] {strides = array<i32>} : memref<512xf32, #tpu.memory_space<vmem>>, vector<16xf32>,
    %get3A_490 = arith.constant 320 : index
    %get3A_491 = tpu.vector_load %arg11[%get3A_490] {strides = array<i32>} : memref<512xf32, #tpu.memory_space<vmem>>, vector<16xf32>,
    %add3A_492 = arith.addf %get3A_489, %get3A_491 : vector<16xf32>
    %add3A_493 = arith.addf %add3A_492, %get3A_131 : vector<16xf32>
    %neg3A_494 = arith.constant 0.000000e+00 : f32
    %neg3A_495 = vector.broadcast %neg3A_494 : f32 to vector<16xf32>
    %neg3A_496 = arith.subf %neg3A_495, %add3A_493 : vector<16xf32>
    %exp3A_497 = math.exp %neg3A_496 : vector<16xf32>
    %add3A_498 = arith.constant 1.000000e+00 : f32
    %add3A_499 = vector.broadcast %add3A_498 : f32 to vector<16xf32>
    %add3A_500 = arith.addf %add3A_499, %exp3A_497 : vector<16xf32>
    %div3A_501 = arith.constant 1.000000e+00 : f32
    %div3A_502 = vector.broadcast %div3A_501 : f32 to vector<16xf32>
    %div3A_503 = arith.divf %div3A_502, %add3A_500 : vector<16xf32>
    %swap3A_504 = arith.constant 320 : index
    %swap3A_505 = tpu.vector_load %arg13[%swap3A_504] {strides = array<i32>} : memref<512xf32, #tpu.memory_space<vmem>>, vector<16xf32>,
    tpu.vector_store %arg13[%swap3A_504], %div3A_503 {strides = array<i32>} : memref<512xf32, #tpu.memory_space<vmem>>, vector<16xf32>,
    %get3A_506 = arith.constant 336 : index
    %get3A_507 = tpu.vector_load %arg10[%get3A_506] {strides = array<i32>} : memref<512xf32, #tpu.memory_space<vmem>>, vector<16xf32>,
    %get3A_508 = arith.constant 336 : index
    %get3A_509 = tpu.vector_load %arg11[%get3A_508] {strides = array<i32>} : memref<512xf32, #tpu.memory_space<vmem>>, vector<16xf32>,
    %add3A_510 = arith.addf %get3A_507, %get3A_509 : vector<16xf32>
    %add3A_511 = arith.addf %add3A_510, %get3A_131 : vector<16xf32>
    %neg3A_512 = arith.constant 0.000000e+00 : f32
    %neg3A_513 = vector.broadcast %neg3A_512 : f32 to vector<16xf32>
    %neg3A_514 = arith.subf %neg3A_513, %add3A_511 : vector<16xf32>
    %exp3A_515 = math.exp %neg3A_514 : vector<16xf32>
    %add3A_516 = arith.constant 1.000000e+00 : f32
    %add3A_517 = vector.broadcast %add3A_516 : f32 to vector<16xf32>
    %add3A_518 = arith.addf %add3A_517, %exp3A_515 : vector<16xf32>
    %div3A_519 = arith.constant 1.000000e+00 : f32
    %div3A_520 = vector.broadcast %div3A_519 : f32 to vector<16xf32>
    %div3A_521 = arith.divf %div3A_520, %add3A_518 : vector<16xf32>
    %swap3A_522 = arith.constant 336 : index
    %swap3A_523 = tpu.vector_load %arg13[%swap3A_522] {strides = array<i32>} : memref<512xf32, #tpu.memory_space<vmem>>, vector<16xf32>,
    tpu.vector_store %arg13[%swap3A_522], %div3A_521 {strides = array<i32>} : memref<512xf32, #tpu.memory_space<vmem>>, vector<16xf32>,
    %get3A_524 = arith.constant 352 : index
    %get3A_525 = tpu.vector_load %arg10[%get3A_524] {strides = array<i32>} : memref<512xf32, #tpu.memory_space<vmem>>, vector<16xf32>,
    %get3A_526 = arith.constant 352 : index
    %get3A_527 = tpu.vector_load %arg11[%get3A_526] {strides = array<i32>} : memref<512xf32, #tpu.memory_space<vmem>>, vector<16xf32>,
    %add3A_528 = arith.addf %get3A_525, %get3A_527 : vector<16xf32>
    %add3A_529 = arith.addf %add3A_528, %get3A_131 : vector<16xf32>
    %neg3A_530 = arith.constant 0.000000e+00 : f32
    %neg3A_531 = vector.broadcast %neg3A_530 : f32 to vector<16xf32>
    %neg3A_532 = arith.subf %neg3A_531, %add3A_529 : vector<16xf32>
    %exp3A_533 = math.exp %neg3A_532 : vector<16xf32>
    %add3A_534 = arith.constant 1.000000e+00 : f32
    %add3A_535 = vector.broadcast %add3A_534 : f32 to vector<16xf32>
    %add3A_536 = arith.addf %add3A_535, %exp3A_533 : vector<16xf32>
    %div3A_537 = arith.constant 1.000000e+00 : f32
    %div3A_538 = vector.broadcast %div3A_537 : f32 to vector<16xf32>
    %div3A_539 = arith.divf %div3A_538, %add3A_536 : vector<16xf32>
    %swap3A_540 = arith.constant 352 : index
    %swap3A_541 = tpu.vector_load %arg13[%swap3A_540] {strides = array<i32>} : memref<512xf32, #tpu.memory_space<vmem>>, vector<16xf32>,
    tpu.vector_store %arg13[%swap3A_540], %div3A_539 {strides = array<i32>} : memref<512xf32, #tpu.memory_space<vmem>>, vector<16xf32>,
    %get3A_542 = arith.constant 368 : index
    %get3A_543 = tpu.vector_load %arg10[%get3A_542] {strides = array<i32>} : memref<512xf32, #tpu.memory_space<vmem>>, vector<16xf32>,
    %get3A_544 = arith.constant 368 : index
    %get3A_545 = tpu.vector_load %arg11[%get3A_544] {strides = array<i32>} : memref<512xf32, #tpu.memory_space<vmem>>, vector<16xf32>,
    %add3A_546 = arith.addf %get3A_543, %get3A_545 : vector<16xf32>
    %add3A_547 = arith.addf %add3A_546, %get3A_131 : vector<16xf32>
    %neg3A_548 = arith.constant 0.000000e+00 : f32
    %neg3A_549 = vector.broadcast %neg3A_548 : f32 to vector<16xf32>
    %neg3A_550 = arith.subf %neg3A_549, %add3A_547 : vector<16xf32>
    %exp3A_551 = math.exp %neg3A_550 : vector<16xf32>
    %add3A_552 = arith.constant 1.000000e+00 : f32
    %add3A_553 = vector.broadcast %add3A_552 : f32 to vector<16xf32>
    %add3A_554 = arith.addf %add3A_553, %exp3A_551 : vector<16xf32>
    %div3A_555 = arith.constant 1.000000e+00 : f32
    %div3A_556 = vector.broadcast %div3A_555 : f32 to vector<16xf32>
    %div3A_557 = arith.divf %div3A_556, %add3A_554 : vector<16xf32>
    %swap3A_558 = arith.constant 368 : index
    %swap3A_559 = tpu.vector_load %arg13[%swap3A_558] {strides = array<i32>} : memref<512xf32, #tpu.memory_space<vmem>>, vector<16xf32>,
    tpu.vector_store %arg13[%swap3A_558], %div3A_557 {strides = array<i32>} : memref<512xf32, #tpu.memory_space<vmem>>, vector<16xf32>,
    %get3A_560 = arith.constant 384 : index
    %get3A_561 = tpu.vector_load %arg10[%get3A_560] {strides = array<i32>} : memref<512xf32, #tpu.memory_space<vmem>>, vector<16xf32>,
    %get3A_562 = arith.constant 384 : index
    %get3A_563 = tpu.vector_load %arg11[%get3A_562] {strides = array<i32>} : memref<512xf32, #tpu.memory_space<vmem>>, vector<16xf32>,
    %add3A_564 = arith.addf %get3A_561, %get3A_563 : vector<16xf32>
    %add3A_565 = arith.addf %add3A_564, %get3A_131 : vector<16xf32>
    %neg3A_566 = arith.constant 0.000000e+00 : f32
    %neg3A_567 = vector.broadcast %neg3A_566 : f32 to vector<16xf32>
    %neg3A_568 = arith.subf %neg3A_567, %add3A_565 : vector<16xf32>
    %exp3A_569 = math.exp %neg3A_568 : vector<16xf32>
    %add3A_570 = arith.constant 1.000000e+00 : f32
    %add3A_571 = vector.broadcast %add3A_570 : f32 to vector<16xf32>
    %add3A_572 = arith.addf %add3A_571, %exp3A_569 : vector<16xf32>
    %div3A_573 = arith.constant 1.000000e+00 : f32
    %div3A_574 = vector.broadcast %div3A_573 : f32 to vector<16xf32>
    %div3A_575 = arith.divf %div3A_574, %add3A_572 : vector<16xf32>
    %swap3A_576 = arith.constant 384 : index
    %swap3A_577 = tpu.vector_load %arg13[%swap3A_576] {strides = array<i32>} : memref<512xf32, #tpu.memory_space<vmem>>, vector<16xf32>,
    tpu.vector_store %arg13[%swap3A_576], %div3A_575 {strides = array<i32>} : memref<512xf32, #tpu.memory_space<vmem>>, vector<16xf32>,
    %get3A_578 = arith.constant 400 : index
    %get3A_579 = tpu.vector_load %arg10[%get3A_578] {strides = array<i32>} : memref<512xf32, #tpu.memory_space<vmem>>, vector<16xf32>,
    %get3A_580 = arith.constant 400 : index
    %get3A_581 = tpu.vector_load %arg11[%get3A_580] {strides = array<i32>} : memref<512xf32, #tpu.memory_space<vmem>>, vector<16xf32>,
    %add3A_582 = arith.addf %get3A_579, %get3A_581 : vector<16xf32>
    %add3A_583 = arith.addf %add3A_582, %get3A_131 : vector<16xf32>
    %neg3A_584 = arith.constant 0.000000e+00 : f32
    %neg3A_585 = vector.broadcast %neg3A_584 : f32 to vector<16xf32>
    %neg3A_586 = arith.subf %neg3A_585, %add3A_583 : vector<16xf32>
    %exp3A_587 = math.exp %neg3A_586 : vector<16xf32>
    %add3A_588 = arith.constant 1.000000e+00 : f32
    %add3A_589 = vector.broadcast %add3A_588 : f32 to vector<16xf32>
    %add3A_590 = arith.addf %add3A_589, %exp3A_587 : vector<16xf32>
    %div3A_591 = arith.constant 1.000000e+00 : f32
    %div3A_592 = vector.broadcast %div3A_591 : f32 to vector<16xf32>
    %div3A_593 = arith.divf %div3A_592, %add3A_590 : vector<16xf32>
    %swap3A_594 = arith.constant 400 : index
    %swap3A_595 = tpu.vector_load %arg13[%swap3A_594] {strides = array<i32>} : memref<512xf32, #tpu.memory_space<vmem>>, vector<16xf32>,
    tpu.vector_store %arg13[%swap3A_594], %div3A_593 {strides = array<i32>} : memref<512xf32, #tpu.memory_space<vmem>>, vector<16xf32>,
    %get3A_596 = arith.constant 416 : index
    %get3A_597 = tpu.vector_load %arg10[%get3A_596] {strides = array<i32>} : memref<512xf32, #tpu.memory_space<vmem>>, vector<16xf32>,
    %get3A_598 = arith.constant 416 : index
    %get3A_599 = tpu.vector_load %arg11[%get3A_598] {strides = array<i32>} : memref<512xf32, #tpu.memory_space<vmem>>, vector<16xf32>,
    %add3A_600 = arith.addf %get3A_597, %get3A_599 : vector<16xf32>
    %add3A_601 = arith.addf %add3A_600, %get3A_131 : vector<16xf32>
    %neg3A_602 = arith.constant 0.000000e+00 : f32
    %neg3A_603 = vector.broadcast %neg3A_602 : f32 to vector<16xf32>
    %neg3A_604 = arith.subf %neg3A_603, %add3A_601 : vector<16xf32>
    %exp3A_605 = math.exp %neg3A_604 : vector<16xf32>
    %add3A_606 = arith.constant 1.000000e+00 : f32
    %add3A_607 = vector.broadcast %add3A_606 : f32 to vector<16xf32>
    %add3A_608 = arith.addf %add3A_607, %exp3A_605 : vector<16xf32>
    %div3A_609 = arith.constant 1.000000e+00 : f32
    %div3A_610 = vector.broadcast %div3A_609 : f32 to vector<16xf32>
    %div3A_611 = arith.divf %div3A_610, %add3A_608 : vector<16xf32>
    %swap3A_612 = arith.constant 416 : index
    %swap3A_613 = tpu.vector_load %arg13[%swap3A_612] {strides = array<i32>} : memref<512xf32, #tpu.memory_space<vmem>>, vector<16xf32>,
    tpu.vector_store %arg13[%swap3A_612], %div3A_611 {strides = array<i32>} : memref<512xf32, #tpu.memory_space<vmem>>, vector<16xf32>,
    %get3A_614 = arith.constant 432 : index
    %get3A_615 = tpu.vector_load %arg10[%get3A_614] {strides = array<i32>} : memref<512xf32, #tpu.memory_space<vmem>>, vector<16xf32>,
    %get3A_616 = arith.constant 432 : index
    %get3A_617 = tpu.vector_load %arg11[%get3A_616] {strides = array<i32>} : memref<512xf32, #tpu.memory_space<vmem>>, vector<16xf32>,
    %add3A_618 = arith.addf %get3A_615, %get3A_617 : vector<16xf32>
    %add3A_619 = arith.addf %add3A_618, %get3A_131 : vector<16xf32>
    %neg3A_620 = arith.constant 0.000000e+00 : f32
    %neg3A_621 = vector.broadcast %neg3A_620 : f32 to vector<16xf32>
    %neg3A_622 = arith.subf %neg3A_621, %add3A_619 : vector<16xf32>
    %exp3A_623 = math.exp %neg3A_622 : vector<16xf32>
    %add3A_624 = arith.constant 1.000000e+00 : f32
    %add3A_625 = vector.broadcast %add3A_624 : f32 to vector<16xf32>
    %add3A_626 = arith.addf %add3A_625, %exp3A_623 : vector<16xf32>
    %div3A_627 = arith.constant 1.000000e+00 : f32
    %div3A_628 = vector.broadcast %div3A_627 : f32 to vector<16xf32>
    %div3A_629 = arith.divf %div3A_628, %add3A_626 : vector<16xf32>
    %swap3A_630 = arith.constant 432 : index
    %swap3A_631 = tpu.vector_load %arg13[%swap3A_630] {strides = array<i32>} : memref<512xf32, #tpu.memory_space<vmem>>, vector<16xf32>,
    tpu.vector_store %arg13[%swap3A_630], %div3A_629 {strides = array<i32>} : memref<512xf32, #tpu.memory_space<vmem>>, vector<16xf32>,
    %get3A_632 = arith.constant 448 : index
    %get3A_633 = tpu.vector_load %arg10[%get3A_632] {strides = array<i32>} : memref<512xf32, #tpu.memory_space<vmem>>, vector<16xf32>,
    %get3A_634 = arith.constant 448 : index
    %get3A_635 = tpu.vector_load %arg11[%get3A_634] {strides = array<i32>} : memref<512xf32, #tpu.memory_space<vmem>>, vector<16xf32>,
    %add3A_636 = arith.addf %get3A_633, %get3A_635 : vector<16xf32>
    %add3A_637 = arith.addf %add3A_636, %get3A_131 : vector<16xf32>
    %neg3A_638 = arith.constant 0.000000e+00 : f32
    %neg3A_639 = vector.broadcast %neg3A_638 : f32 to vector<16xf32>
    %neg3A_640 = arith.subf %neg3A_639, %add3A_637 : vector<16xf32>
    %exp3A_641 = math.exp %neg3A_640 : vector<16xf32>
    %add3A_642 = arith.constant 1.000000e+00 : f32
    %add3A_643 = vector.broadcast %add3A_642 : f32 to vector<16xf32>
    %add3A_644 = arith.addf %add3A_643, %exp3A_641 : vector<16xf32>
    %div3A_645 = arith.constant 1.000000e+00 : f32
    %div3A_646 = vector.broadcast %div3A_645 : f32 to vector<16xf32>
    %div3A_647 = arith.divf %div3A_646, %add3A_644 : vector<16xf32>
    %swap3A_648 = arith.constant 448 : index
    %swap3A_649 = tpu.vector_load %arg13[%swap3A_648] {strides = array<i32>} : memref<512xf32, #tpu.memory_space<vmem>>, vector<16xf32>,
    tpu.vector_store %arg13[%swap3A_648], %div3A_647 {strides = array<i32>} : memref<512xf32, #tpu.memory_space<vmem>>, vector<16xf32>,
    %get3A_650 = arith.constant 464 : index
    %get3A_651 = tpu.vector_load %arg10[%get3A_650] {strides = array<i32>} : memref<512xf32, #tpu.memory_space<vmem>>, vector<16xf32>,
    %get3A_652 = arith.constant 464 : index
    %get3A_653 = tpu.vector_load %arg11[%get3A_652] {strides = array<i32>} : memref<512xf32, #tpu.memory_space<vmem>>, vector<16xf32>,
    %add3A_654 = arith.addf %get3A_651, %get3A_653 : vector<16xf32>
    %add3A_655 = arith.addf %add3A_654, %get3A_131 : vector<16xf32>
    %neg3A_656 = arith.constant 0.000000e+00 : f32
    %neg3A_657 = vector.broadcast %neg3A_656 : f32 to vector<16xf32>
    %neg3A_658 = arith.subf %neg3A_657, %add3A_655 : vector<16xf32>
    %exp3A_659 = math.exp %neg3A_658 : vector<16xf32>
    %add3A_660 = arith.constant 1.000000e+00 : f32
    %add3A_661 = vector.broadcast %add3A_660 : f32 to vector<16xf32>
    %add3A_662 = arith.addf %add3A_661, %exp3A_659 : vector<16xf32>
    %div3A_663 = arith.constant 1.000000e+00 : f32
    %div3A_664 = vector.broadcast %div3A_663 : f32 to vector<16xf32>
    %div3A_665 = arith.divf %div3A_664, %add3A_662 : vector<16xf32>
    %swap3A_666 = arith.constant 464 : index
    %swap3A_667 = tpu.vector_load %arg13[%swap3A_666] {strides = array<i32>} : memref<512xf32, #tpu.memory_space<vmem>>, vector<16xf32>,
    tpu.vector_store %arg13[%swap3A_666], %div3A_665 {strides = array<i32>} : memref<512xf32, #tpu.memory_space<vmem>>, vector<16xf32>,
    %get3A_668 = arith.constant 480 : index
    %get3A_669 = tpu.vector_load %arg10[%get3A_668] {strides = array<i32>} : memref<512xf32, #tpu.memory_space<vmem>>, vector<16xf32>,
    %get3A_670 = arith.constant 480 : index
    %get3A_671 = tpu.vector_load %arg11[%get3A_670] {strides = array<i32>} : memref<512xf32, #tpu.memory_space<vmem>>, vector<16xf32>,
    %add3A_672 = arith.addf %get3A_669, %get3A_671 : vector<16xf32>
    %add3A_673 = arith.addf %add3A_672, %get3A_131 : vector<16xf32>
    %neg3A_674 = arith.constant 0.000000e+00 : f32
    %neg3A_675 = vector.broadcast %neg3A_674 : f32 to vector<16xf32>
    %neg3A_676 = arith.subf %neg3A_675, %add3A_673 : vector<16xf32>
    %exp3A_677 = math.exp %neg3A_676 : vector<16xf32>
    %add3A_678 = arith.constant 1.000000e+00 : f32
    %add3A_679 = vector.broadcast %add3A_678 : f32 to vector<16xf32>
    %add3A_680 = arith.addf %add3A_679, %exp3A_677 : vector<16xf32>
    %div3A_681 = arith.constant 1.000000e+00 : f32
    %div3A_682 = vector.broadcast %div3A_681 : f32 to vector<16xf32>
    %div3A_683 = arith.divf %div3A_682, %add3A_680 : vector<16xf32>
    %swap3A_684 = arith.constant 480 : index
    %swap3A_685 = tpu.vector_load %arg13[%swap3A_684] {strides = array<i32>} : memref<512xf32, #tpu.memory_space<vmem>>, vector<16xf32>,
    tpu.vector_store %arg13[%swap3A_684], %div3A_683 {strides = array<i32>} : memref<512xf32, #tpu.memory_space<vmem>>, vector<16xf32>,
    %get3A_686 = arith.constant 496 : index
    %get3A_687 = tpu.vector_load %arg10[%get3A_686] {strides = array<i32>} : memref<512xf32, #tpu.memory_space<vmem>>, vector<16xf32>,
    %get3A_688 = arith.constant 496 : index
    %get3A_689 = tpu.vector_load %arg11[%get3A_688] {strides = array<i32>} : memref<512xf32, #tpu.memory_space<vmem>>, vector<16xf32>,
    %add3A_690 = arith.addf %get3A_687, %get3A_689 : vector<16xf32>
    %add3A_691 = arith.addf %add3A_690, %get3A_131 : vector<16xf32>
    %neg3A_692 = arith.constant 0.000000e+00 : f32
    %neg3A_693 = vector.broadcast %neg3A_692 : f32 to vector<16xf32>
    %neg3A_694 = arith.subf %neg3A_693, %add3A_691 : vector<16xf32>
    %exp3A_695 = math.exp %neg3A_694 : vector<16xf32>
    %add3A_696 = arith.constant 1.000000e+00 : f32
    %add3A_697 = vector.broadcast %add3A_696 : f32 to vector<16xf32>
    %add3A_698 = arith.addf %add3A_697, %exp3A_695 : vector<16xf32>
    %div3A_699 = arith.constant 1.000000e+00 : f32
    %div3A_700 = vector.broadcast %div3A_699 : f32 to vector<16xf32>
    %div3A_701 = arith.divf %div3A_700, %add3A_698 : vector<16xf32>
    %swap3A_702 = arith.constant 496 : index
    %swap3A_703 = tpu.vector_load %arg13[%swap3A_702] {strides = array<i32>} : memref<512xf32, #tpu.memory_space<vmem>>, vector<16xf32>,
    tpu.vector_store %arg13[%swap3A_702], %div3A_701 {strides = array<i32>} : memref<512xf32, #tpu.memory_space<vmem>>, vector<16xf32>,
    %mul3A_704 = arith.constant 512 : i32
    %mul3A_705 = arith.muli %add3A, %mul3A_704 : i32
    "tpu.region"() ({
      %run_scoped3A = tpu.sem_alloc : memref<!tpu.dma_semaphore, #tpu.memory_space<semaphore_mem>>
      %dma_start3A_706 = tpu.memref_slice %arg7[%mul3A_705] : memref<16384xf32, #tpu.memory_space<hbm>> -> memref<512xf32, #tpu.memory_space<hbm>>
      %dma_start3A_707 = tpu.memref_slice %arg7[%mul3A_705] : memref<16384xf32, #tpu.memory_space<hbm>> -> memref<512xf32, #tpu.memory_space<hbm>>
      tpu.enqueue_dma source(%arg13 : memref<512xf32, #tpu.memory_space<vmem>>) target(%dma_start3A_707 : memref<512xf32, #tpu.memory_space<hbm>>) target_semaphore(%run_scoped3A : memref<!tpu.dma_semaphore, #tpu.memory_space<semaphore_mem>>)
      %dma_wait3A_708 = tpu.memref_slice %arg7[%mul3A_705] : memref<16384xf32, #tpu.memory_space<hbm>> -> memref<512xf32, #tpu.memory_space<hbm>>
      %dma_wait3A_709 = tpu.memref_slice %arg7[%mul3A_705] : memref<16384xf32, #tpu.memory_space<hbm>> -> memref<512xf32, #tpu.memory_space<hbm>>
      tpu.wait_dma2 semaphore(%run_scoped3A : memref<!tpu.dma_semaphore, #tpu.memory_space<semaphore_mem>>) src(%arg13 : memref<512xf32, #tpu.memory_space<vmem>>) dst(%dma_wait3A_709 : memref<512xf32, #tpu.memory_space<hbm>>)
      tpu.yield
    }) : () -> ()
    return
  }
}

module attributes {stable_mosaic.version = 14 : i64} {
  func.func @_matvec_kernel(%arg0: i32, %arg1: memref<64x16384xf32, #tpu.memory_space<vmem>>, %arg2: memref<64x16384xf32, #tpu.memory_space<vmem>>, %arg3: memref<64x1xf32, #tpu.memory_space<vmem>>, %arg4: memref<64x1xf32, #tpu.memory_space<vmem>>, %arg5: memref<16384xf32, #tpu.memory_space<vmem>>, %arg6: memref<16384xf32, #tpu.memory_space<vmem>>) attributes {dimension_semantics = [#tpu.dimension_semantics<arbitrary>], iteration_bounds = array<i64: 62>, scalar_prefetch = 0 : i64, scratch_operands = 0 : i64, tpu.core_type = #tpu.core_type<tc>, window_params = [{transform_indices = @transform_0, window_bounds = array<i64: 64, 16384>}, {transform_indices = @transform_1, window_bounds = array<i64: 64, 16384>}, {pipeline_mode = #tpu.pipeline_mode<synchronous>, transform_indices = @transform_2, window_bounds = array<i64: 64, 1>}, {pipeline_mode = #tpu.pipeline_mode<synchronous>, transform_indices = @transform_3, window_bounds = array<i64: 64, 1>}, {transform_indices = @transform_4, window_bounds = array<i64: 16384>}, {transform_indices = @transform_5, window_bounds = array<i64: 16384>}]} {
    %get3A = arith.constant 0 : index
    %get3A_0 = arith.constant 0 : index
    %get3A_1 = vector.load %arg1[%get3A, %get3A_0] : memref<64x16384xf32, #tpu.memory_space<vmem>>, vector<64x16384xf32>
    %get3A_2 = arith.constant 0 : index
    %get3A_3 = arith.constant 0 : index
    %get3A_4 = vector.load %arg3[%get3A_2, %get3A_3] : memref<64x1xf32, #tpu.memory_space<vmem>>, vector<64x1xf32>
    %mul3A = vector.broadcast %get3A_4 : vector<64x1xf32> to vector<64x16384xf32>
    %mul3A_5 = arith.mulf %get3A_1, %mul3A : vector<64x16384xf32>
    %reduce_sum3A = arith.constant dense<0.000000e+00> : vector<16384xf32>
    %reduce_sum3A_6 = vector.multi_reduction <add>, %mul3A_5, %reduce_sum3A [0] : vector<64x16384xf32> to vector<16384xf32>
    %swap3A = arith.constant 0 : index
    %swap3A_7 = vector.load %arg5[%swap3A] : memref<16384xf32, #tpu.memory_space<vmem>>, vector<16384xf32>
    tpu.vector_store %arg5[%swap3A], %reduce_sum3A_6 {strides = array<i32>} : memref<16384xf32, #tpu.memory_space<vmem>>, vector<16384xf32>,
    %get3A_8 = arith.constant 0 : index
    %get3A_9 = arith.constant 0 : index
    %get3A_10 = vector.load %arg2[%get3A_8, %get3A_9] : memref<64x16384xf32, #tpu.memory_space<vmem>>, vector<64x16384xf32>
    %get3A_11 = arith.constant 0 : index
    %get3A_12 = arith.constant 0 : index
    %get3A_13 = vector.load %arg4[%get3A_11, %get3A_12] : memref<64x1xf32, #tpu.memory_space<vmem>>, vector<64x1xf32>
    %mul3A_14 = vector.broadcast %get3A_13 : vector<64x1xf32> to vector<64x16384xf32>
    %mul3A_15 = arith.mulf %get3A_10, %mul3A_14 : vector<64x16384xf32>
    %reduce_sum3A_16 = arith.constant dense<0.000000e+00> : vector<16384xf32>
    %reduce_sum3A_17 = vector.multi_reduction <add>, %mul3A_15, %reduce_sum3A_16 [0] : vector<64x16384xf32> to vector<16384xf32>
    %swap3A_18 = arith.constant 0 : index
    %swap3A_19 = vector.load %arg6[%swap3A_18] : memref<16384xf32, #tpu.memory_space<vmem>>, vector<16384xf32>
    tpu.vector_store %arg6[%swap3A_18], %reduce_sum3A_17 {strides = array<i32>} : memref<16384xf32, #tpu.memory_space<vmem>>, vector<16384xf32>,
    return
  }
  func.func @transform_0(%arg0: i32) -> (i32, i32) {
    %c0_i32 = arith.constant 0 : i32
    %c0_i32_0 = arith.constant 0 : i32
    return %c0_i32, %arg0 : i32, i32
  }
  func.func @transform_1(%arg0: i32) -> (i32, i32) {
    %c0_i32 = arith.constant 0 : i32
    %c0_i32_0 = arith.constant 0 : i32
    return %c0_i32, %arg0 : i32, i32
  }
  func.func @transform_2(%arg0: i32) -> (i32, i32) {
    %c0_i32 = arith.constant 0 : i32
    %c0_i32_0 = arith.constant 0 : i32
    %c0_i32_1 = arith.constant 0 : i32
    return %c0_i32, %c0_i32_0 : i32, i32
  }
  func.func @transform_3(%arg0: i32) -> (i32, i32) {
    %c0_i32 = arith.constant 0 : i32
    %c0_i32_0 = arith.constant 0 : i32
    %c0_i32_1 = arith.constant 0 : i32
    return %c0_i32, %c0_i32_0 : i32, i32
  }
  func.func @transform_4(%arg0: i32) -> i32 {
    %c0_i32 = arith.constant 0 : i32
    return %arg0 : i32
  }
  func.func @transform_5(%arg0: i32) -> i32 {
    %c0_i32 = arith.constant 0 : i32
    return %arg0 : i32
  }
}

</mosaic_0001>

<sc_bundles>
// kernel: _run.4.cloned.1.call-start
scs
__scs_entry_jumppad:
0x0: {  	(pc) =	sbr.rel $0x88, $3  }
0x1: {  	(tag) =	ssettag $0x0;
	lr =	simm.s32 $0x1  }
0x2: {  	[smem:$0x3F9C] =	sst lr;
	_ =	strace $0xD0000000  }
0x3: {  	_ = 	snop  }
0x4: {  	_ = 	snop  }
0x5: {  	_ = 	snop  }
0x6: {  	_ = 	snop  }
0x7: {  	_ = 	snop  }
__scs_overlays_trampoline_lowered:
0x8: {  	[smem:$0x3FAB] =	sst s0  }
0x9: {  	[smem:$0x3FAC] =	sst s1  }
0xa: {  	[smem:$0x3FAD] =	sst s2  }
0xb: {  	[smem:$0x3FAE] =	sst s3  }
0xc: {  	[smem:$0x3FAF] =	sst s4  }
0xd: {  	[smem:$0x3FB0] =	sst s5  }
0xe: {  	[smem:$0x3FB1] =	sst s6  }
0xf: {  	[smem:$0x3FB2] =	sst s7  }
0x10: {  	[smem:$0x3FB3] =	sst s8  }
0x11: {  	[smem:$0x3FB4] =	sst s9;
	s0 =	simm.s32 @!p0 $0x0  }
0x12: {  	s1 =	sld [smem:$0x3F9A];
	s0 =	simm.s32 @p0 $0x1  }
0x13: {  	[smem:$0x3FB5] =	sst s0;
	s0 =	simm.s32 @!p1 $0x0  }
0x14: {  	s2 =	sld [smem:$0x3F99];
	s0 =	simm.s32 @p1 $0x1  }
0x15: {  	[smem:$0x3FB6] =	sst s0;
	s0 =	simm.s32 @!p2 $0x0  }
0x16: {  	s3 =	sld [smem:$0x3FDB];
	s0 =	simm.s32 @p2 $0x1  }
0x17: {  	s4 =	simm.s32 $0x1BF5;
	[smem:$0x3FB8] =	sst s0  }
0x18: {  	s0 =	sld [smem:$0x3F9B];
	_ =	swait.ge [sflag:s4], $0x0  }
0x19: {  	s7 =	sld [smem:$0x3F9C]  }
0x1a: {  	s8 =	sadd.s32 $0xFFFFE003, lr  }
0x1b: {  	s9 =	sadd.s32 $0xFFFFFEF7, lr;
	s5 =	simm.s32 $0xFFFFFFFF;
	p2 =	slt.u32 s8, $0xFFFFF086  }
0x1c: {  	p1 =	slt.u32 s9, $0xF7A;
	s5 =	simm.s32 @!p2 $0x0  }
0x1d: {  	s5 =	simm.s32 @p1 $0x1;
	p0 =	seq.s32 s7, s2  }
0x1e: {  	s7 =	smul.u32 @!p0 $0xF7A, s2;
	p2 =	seq.s32 @!p0 s5, $0x0  }
0x1f: {  	s9 =	smul.u32 $0xF7A, s1;
	s8 =	simm.s32 @!p0 $0x1BF5;
	p2 =	por !p2, p0  }
0x20: {  	[sflag:s8] =	ssyncset.s32 @!p0 $0xFFFFF086;
	s6 =	sadd.s32 @!p0 s3, s7;
	s7 =	simm.s32 @!p0 $0x108  }
0x21: {  	s3 =	sadd.s32 s3, s9;
	s6 =	sadd.s32 @!p0 $0x88, s6;
	s7 =	simm.s32 @p2 $0x1082  }
0x22: {  	[simem:s7], [sflag:s8] =	dma.local @!p0 [hbm:s6], $0xF7A  }
0x23: {  	s9 =	sor.u32 $0xD0000000, s2;
	s6 =	simm.s32 $0x108;
	_ =	swait.ge @!p0 [sflag:s8], $0x0  }
0x24: {  	s3 =	sadd.s32 $0x88, s3;
	s6 =	simm.s32 @!p1 $0x1082;
	[sflag:s4] =	ssyncset.s32 $0xFFFFF086  }
0x25: {  	[simem:s6], [sflag:s4] =	dma.local [hbm:s3], $0xF7A  }
0x26: {  	[smem:$0x3F9C] =	sst s1;
	(tag) =	ssettag s2;
	_ =	strace s9  }
0x27: {  	s1 =	sld [smem:$0x3FAC]  }
0x28: {  	s2 =	sld [smem:$0x3FAD]  }
0x29: {  	s4 =	sld [smem:$0x3FAF]  }
0x2a: {  	p0 =	seq.s32 s5, $0x0;
	s5 =	sld [smem:$0x3FB0]  }
0x2b: {  	s6 =	sld [smem:$0x3FB1]  }
0x2c: {  	s7 =	sld [smem:$0x3FB2]  }
0x2d: {  	s3 =	simm.s32 $0x108;
	s8 =	sld [smem:$0x3FB3]  }
0x2e: {  	s3 =	simm.s32 @!p0 $0x1082;
	s9 =	sld [smem:$0x3FB4]  }
0x2f: {  	lr =	sadd.s32 s0, s3;
	s0 =	sld [smem:$0x3FAB]  }
0x30: {  	s3 =	sld [smem:$0x3FAE]  }
0x31: {  	[smem:$0x3FB7] =	sst s10  }
0x32: {  	s10 =	sld [smem:$0x3FB5];
	_ =	sdelay $0x3  }
0x33: {  	p0 =	seq.s32 s10, $0x1;
	s10 =	sld [smem:$0x3FB7];
	_ =	sdelay $0x3  }
0x34: {  	[smem:$0x3FB7] =	sst s10  }
0x35: {  	s10 =	sld [smem:$0x3FB6];
	_ =	sdelay $0x3  }
0x36: {  	p1 =	seq.s32 s10, $0x1;
	s10 =	sld [smem:$0x3FB7];
	_ =	sdelay $0x3  }
0x37: {  	[smem:$0x3FB7] =	sst s10  }
0x38: {  	s10 =	sld [smem:$0x3FB8]  }
0x39: {  	_ = 	snop;
	(pc) =	sbr.ind lr, $3  }
0x3a: {  	_ = 	snop  }
0x3b: {  	_ = 	snop  }
0x3c: {  	p2 =	seq.s32 s10, $0x1;
	s10 =	sld [smem:$0x3FB7]  }
0x3d: {  	_ =	shalt  }
0x3e: {  	_ =	shalt  }
0x3f: {  	_ =	shalt  }
0x40: {  	_ =	shalt  }
0x41: {  	_ =	shalt  }
0x42: {  	_ =	shalt  }
0x43: {  	_ =	shalt  }
0x44: {  	_ =	shalt  }
0x45: {  	_ =	shalt  }
0x46: {  	_ =	shalt  }
0x47: {  	_ =	shalt  }
0x48: {  	_ =	shalt  }
0x49: {  	_ =	shalt  }
0x4a: {  	_ =	shalt  }
0x4b: {  	_ =	shalt  }
0x4c: {  	_ =	shalt  }
0x4d: {  	_ =	shalt  }
0x4e: {  	_ =	shalt  }
0x4f: {  	_ =	shalt  }
0x50: {  	_ =	shalt  }
0x51: {  	_ =	shalt  }
0x52: {  	_ =	shalt  }
0x53: {  	_ =	shalt  }
0x54: {  	_ =	shalt  }
0x55: {  	_ =	shalt  }
0x56: {  	_ =	shalt  }
0x57: {  	_ =	shalt  }
0x58: {  	_ =	shalt  }
0x59: {  	_ =	shalt  }
0x5a: {  	_ =	shalt  }
0x5b: {  	_ =	shalt  }
0x5c: {  	_ =	shalt  }
0x5d: {  	_ =	shalt  }
0x5e: {  	_ =	shalt  }
0x5f: {  	_ =	shalt  }
0x60: {  	_ =	shalt  }
0x61: {  	_ =	shalt  }
0x62: {  	_ =	shalt  }
0x63: {  	_ =	shalt  }
0x64: {  	_ =	shalt  }
0x65: {  	_ =	shalt  }
0x66: {  	_ =	shalt  }
0x67: {  	_ =	shalt  }
0x68: {  	_ =	shalt  }
0x69: {  	_ =	shalt  }
0x6a: {  	_ =	shalt  }
0x6b: {  	_ =	shalt  }
0x6c: {  	_ =	shalt  }
0x6d: {  	_ =	shalt  }
0x6e: {  	_ =	shalt  }
0x6f: {  	_ =	shalt  }
0x70: {  	_ =	shalt  }
0x71: {  	_ =	shalt  }
0x72: {  	_ =	shalt  }
0x73: {  	_ =	shalt  }
0x74: {  	_ =	shalt  }
0x75: {  	_ =	shalt  }
0x76: {  	_ =	shalt  }
0x77: {  	_ =	shalt  }
0x78: {  	_ =	shalt  }
0x79: {  	_ =	shalt  }
0x7a: {  	_ =	shalt  }
0x7b: {  	_ =	shalt  }
0x7c: {  	_ =	shalt  }
0x7d: {  	_ =	shalt  }
0x7e: {  	_ =	shalt  }
0x7f: {  	_ =	shalt  }
0x80: {  	_ =	shalt  }
0x81: {  	_ =	shalt  }
0x82: {  	_ =	shalt  }
0x83: {  	_ =	shalt  }
0x84: {  	_ =	shalt  }
0x85: {  	_ =	shalt  }
0x86: {  	_ =	shalt  }
0x87: {  	_ =	shalt  }
.Lfunc_end0:
.L_simem_size_0:
called_computation_lowered:
.L_overlay_start_0:
0x88: {  	s2 =	sld [smem:$0x3FD9]  }
0x89: {  	s3 =	sld [smem:$0x3FFE];
	_ =	sdelay $0x1  }
0x8a: {  	s1 =	srdreg.scid  }
0x8b: {  	s0 =	sand.u32 $0x1, s1  }
0x8c: {  	s17 =	sshll.u32 s0, $0xA;
	s2 =	sadd.s32 s3, s2  }
0x8d: {  	s2 =	sadd.s32 s2, s17  }
0x8e: {  	[smem:$0x3FC3] =	sst s2  }
0x8f: {  	_ = 	snop  }
0x90: {  	s2 =	sld [smem:$0x3FD0];
	(tm) =	ssettm $0x1  }
0x91: {  	s18 =	sld [smem:$0x3FFB];
	_ =	sdelay $0x3  }
0x92: {  	_ =	strace s18  }
0x93: {  	s3 =	sld [smem:$0x3FFC];
	_ =	sdelay $0x3  }
0x94: {  	_ =	strace s3  }
0x95: {  	s3 =	sld [smem:$0x3FFD];
	_ =	sdelay $0x3  }
0x96: {  	_ =	strace s3  }
0x97: {  	_ =	strace $0x8FFFFFFF  }
0x98: {  	s19 =	sld [smem:$0x3FDB];
	_ =	sdelay $0x1  }
0x99: {  	s4 =	simm.s32 $_scs_section_size  }
0x9a: {  	s5 =	simm.s32 $_size__tile_overlayer_lowered;
	s6 =	simm.s32 $_tile_overlayer_lowered  }
0x9b: {  	s22 =	simm.s32 $0x1BFF;
	s21 =	sshll.u32 s6, $0x1;
	s3 =	sadd.s32 s4, s19  }
0x9c: {  	s7 =	simm.s32 $0x0;
	s20 =	sshll.u32 s5, $0x1;
	s5 =	sadd.s32 s21, s3  }
0x9d: {  	[timem:s7], [sflag:s22] =	dma.local [hbm:s5], s20  }
0x9e: {  	_ =	swait.ge [sflag:s22], s20  }
0x9f: {  	s4 =	ssub.s32 $0x0, s20;
	[sflag:s22] =	ssyncset.done $0x0  }
0xa0: {  	[sflag:s22] =	ssyncadd.s32 s4;
	_ =	sdelay $0x1  }
0xa1: {  	s23 =	simm.s32 $0x1B8B  }
0xa2: {  	_ =	swait.ge [sflag:s23], $0x1  }
0xa3: {  	[sflag:s23] =	ssyncset.done $0x0  }
0xa4: {  	s25 =	simm.s32 $0x1B8E;
	s24 =	sld [smem:$0x3FFE];
	[sflag:s23] =	ssyncadd.s32 $0xFFFFFFFF  }
0xa5: {  	s26 =	simm.s32 $execute0_lowered;
	[smem:$0x3FD2] =	sst s25  }
0xa6: {  	s5 =	sshll.u32 s26, $0x1;
	_ =	strace $0x80000046;
	[dreg:$0x1] =	wrdreg $0xFFFFFFFF  }
0xa7: {  	s28 =	simm.s32 $_size_execute0_lowered;
	s3 =	sadd.s32 s3, s5;
	[dreg:$0x0] =	wrdreg $0x0  }
0xa8: {  	s5 =	sshll.u32 s28, $0x1;
	[dreg:$0x2] =	wrdreg s3  }
0xa9: {  	[dreg:$0x3] =	wrdreg s5  }
0xaa: {  	[dreg:$0x4] =	wrdreg $0xC0  }
0xab: {  	_ =	task [dreg:s7], $0x5FFFF  }
0xac: {  	[dreg:$0x1] =	wrdreg $0xFFFFFFFF  }
0xad: {  	[dreg:$0x0] =	wrdreg $0x60  }
0xae: {  	[dreg:$0x2] =	wrdreg s24  }
0xaf: {  	[dreg:$0x3] =	wrdreg s2  }
0xb0: {  	[dreg:$0x4] =	wrdreg $0x9  }
0xb1: {  	_ =	task.clear_ibuf [dreg:s7], $0x5FFFF;
	_ =	strace $0x90000046  }
0xb2: {  	s29 =	simm.s32 $0x9;
	_ =	strace $0x80000048  }
0xb3: {  	_ =	swait.ge [sflag:s29], $0x1  }
0xb4: {  	[sflag:s29] =	ssyncadd.s32 $0xFFFFFFFF  }
0xb5: {  	_ =	strace $0x90000048  }
0xb6: {  	_ =	sfence  }
0xb7: {  	s30 =	sld [smem:$0x0];
	_ =	sdelay $0x2  }
0xb8: {  	s31 =	sshll.u32 s1, $0xD;
	s1 =	sshrl.u32 s1, $0x2  }
0xb9: {  	s3 =	sand.u32 $0x4000, s31;
	s1 =	sadd.s32 s1, s30  }
0xba: {  	s0 =	sor.u32 s3, s0;
	s1 =	sshll.u32 s1, $0x11  }
0xbb: {  	s0 =	sor.u32 s1, s0  }
0xbc: {  	s0 =	sadd.s32 $0x8F2B, s0  }
0xbd: {  	[sflag:s0] =	ssyncadd.remote.s32 $0x1  }
0xbe: {  	_ =	sfence.sel $0xFFFF  }
0xbf: {  	[dreg:$0x0] =	wrdreg $0xFFFFFFFF;
	(pc) =	sbr.abs _section_cstart, $3  }
0xc0: {  	[dreg:$0x1] =	wrdreg $0xFFFFFFFF  }
0xc1: {  	_ =	task.clear_ibuf [dreg:s7], $0x2FFFF;
	_ =	strace $0x9FFFFFFF  }
0xc2: {  	(tm) =	ssettm $0x7FFFFFFF  }
0xc3: {  	_ =	shalt  }
tec
execute0_lowered:
.L_overlay_start_1:
0x0: {  	(tag) =	ssettag $0x1  }
0x1: {  	s0 =	rddreg [dreg:$0x0]  }
0x2: {  	s4 =	rddreg [dreg:$0x1]  }
0x3: {  	s2 =	srdreg.scid;
	s1 =	stileid.u32  }
0x4: {  	s9 =	simm.s32 $0x80;
	s10 =	simm.s32 $0x400;
	s11 =	simm.s32 $0x600  }
0x5: {  	s12 =	simm.s32 $0x480;
	s13 =	simm.s32 $0x280;
	s14 =	simm.s32 $0x680  }
0x6: {  	s15 =	simm.s32 $0x100;
	s16 =	simm.s32 $0x500;
	s17 =	simm.s32 $0x300  }
0x7: {  	s18 =	simm.s32 $0x700;
	s19 =	simm.s32 $0x180;
	s20 =	simm.s32 $0x580  }
0x8: {  	s21 =	simm.s32 $0x380;
	s22 =	simm.s32 $0x780;
	s23 =	simm.s32 $0x1  }
0x9: {  	s28 =	simm.s32 $0x3;
	s29 =	simm.s32 $0x7;
	s30 =	simm.s32 $0x4  }
0xa: {  	s31 =	simm.s32 $0x8;
	s5 =	sand.u32 $0x1, s2;
	s2 =	simm.s32 $0x0  }
0xb: {  	s3 =	sshll.u32 s1, $0x7;
	s24 =	sadd.s32 $0x3F200, s0;
	s6 =	sshll.u32 s5, $0x6  }
0xc: {  	[smem:$0x7FF] =	sst s2;
	s5 =	ssub.s32 $0x2, s5;
	s6 =	sor.u32 s6, s3  }
0xd: {  	_ =	strace $0x80000047;
	[dreg:$0x3] =	wrdreg s24;
	s3 =	sadd.s32 $0x1E00, s0  }
0xe: {  	s25 =	sshrl.u32 s5, $0x1;
	s24 =	simm.s32 $0x5;
	s7 =	sadd.s32 s6, s0  }
0xf: {  	s6 =	sadd.s32 s4, s6;
	s4 =	sadd.s32 $0x20800, s0;
	s26 =	ssub.s32 s5, s25  }
0x10: {  	s25 =	simm.s32 $0x2;
	s0 =	simm.s32 $0x810;
	s8 =	sadd.s32 $0x1600, s7  }
0x11: {  	s7 =	sadd.s32 $0xE00, s7;
	[dreg:$0x6] =	wrdreg s6;
	s5 =	smax.u32 s26, $0x1  }
0x12: {  	s6 =	simm.s32 $0x9;
	s26 =	simm.s32 $0x6;
	[dreg:$0x4] =	wrdreg s8  }
0x13: {  	[dreg:$0x5] =	wrdreg s7;
	s7 =	simm.s32 $0x200;
	s8 =	simm.s32 $0x800  }
.LBB2_1:
0x14: {  	s1 =	rddreg [dreg:$0x4]  }
0x15: {  	[tilespmem:s2], [sflag:$0x9] =	stream.linear.gather [hbm4b:s1+s2], $0x200, $0x38;
	[tilespmem:$0xA10] =	vst v63  }
0x16: {  	_ =	swait.ge [sflag:s6], $0x200  }
0x17: {  	[sflag:s6] =	ssyncset.done $0x0  }
0x18: {  	s1 =	rddreg [dreg:$0x5];
	[sflag:s6] =	ssyncadd.s32 $0xFFFFFE00  }
0x19: {  	[tilespmem:s7], [sflag:$0x9] =	stream.linear.gather [hbm4b:s1+s2], $0x200, $0x38;
	[tilespmem:$0xA10] =	vst v63  }
0x1a: {  	_ =	swait.ge [sflag:s6], $0x200  }
0x1b: {  	[sflag:s6] =	ssyncset.done $0x0  }
0x1c: {  	s1 =	rddreg [dreg:$0x3];
	[sflag:s6] =	ssyncadd.s32 $0xFFFFFE00  }
0x1d: {  	[tilespmem:s8], [sflag:$0x9] =	stream.linear.gather [hbm4b:s1+s2], $0x10, $0x38;
	[tilespmem:$0xA10] =	vst v63  }
0x1e: {  	_ =	swait.ge [sflag:s6], $0x10  }
0x1f: {  	[sflag:s6] =	ssyncset.done $0x0  }
0x20: {  	[sflag:s6] =	ssyncadd.s32 $0xFFFFFFF0  }
0x21: {  	[tilespmem:s10], [sflag:$0x1] =	stream.indirect.gather [hbm4b:s3+s9], $0x1, s2, s9, $0xb8;
	[tilespmem:$0xA10] =	vst v63  }
0x22: {  	_ = 	snop  }
0x23: {  	[tilespmem:s11], [sflag:$0x5] =	stream.indirect.gather [hbm4b:s4+s9], $0x1, s7, s9, $0xb8;
	[tilespmem:$0xA10] =	vst v63  }
0x24: {  	_ = 	snop  }
0x25: {  	[tilespmem:s12], [sflag:$0x2] =	stream.indirect.gather [hbm4b:s3+s9], $0x1, s9, s9, $0xb8;
	[tilespmem:$0xA10] =	vst v63  }
0x26: {  	_ = 	snop  }
0x27: {  	[tilespmem:s14], [sflag:$0x6] =	stream.indirect.gather [hbm4b:s4+s9], $0x1, s13, s9, $0xb8;
	[tilespmem:$0xA10] =	vst v63  }
0x28: {  	_ = 	snop  }
0x29: {  	[tilespmem:s16], [sflag:$0x3] =	stream.indirect.gather [hbm4b:s3+s9], $0x1, s15, s9, $0xb8;
	[tilespmem:$0xA10] =	vst v63  }
0x2a: {  	_ = 	snop  }
0x2b: {  	[tilespmem:s18], [sflag:$0x7] =	stream.indirect.gather [hbm4b:s4+s9], $0x1, s17, s9, $0xb8;
	[tilespmem:$0xA10] =	vst v63  }
0x2c: {  	_ = 	snop  }
0x2d: {  	[tilespmem:s20], [sflag:$0x4] =	stream.indirect.gather [hbm4b:s3+s9], $0x1, s19, s9, $0xb8;
	[tilespmem:$0xA10] =	vst v63  }
0x2e: {  	_ = 	snop  }
0x2f: {  	[tilespmem:s22], [sflag:$0x8] =	stream.indirect.gather [hbm4b:s4+s9], $0x1, s21, s9, $0xb8;
	[tilespmem:$0xA10] =	vst v63  }
0x30: {  	_ =	swait.ge [sflag:s23], $0x80  }
0x31: {  	[sflag:s23] =	ssyncset.done $0x0  }
0x32: {  	[sflag:s23] =	ssyncadd.s32 $0xFFFFFF80  }
0x33: {  	_ =	swait.ge [sflag:s24], $0x80  }
0x34: {  	[sflag:s24] =	ssyncset.done $0x0  }
0x35: {  	[sflag:s24] =	ssyncadd.s32 $0xFFFFFF80  }
0x36: {  	_ =	swait.ge [sflag:s25], $0x80  }
0x37: {  	[sflag:s25] =	ssyncset.done $0x0  }
0x38: {  	[sflag:s25] =	ssyncadd.s32 $0xFFFFFF80  }
0x39: {  	_ =	swait.ge [sflag:s26], $0x80  }
0x3a: {  	[sflag:s26] =	ssyncset.done $0x0  }
0x3b: {  	[sflag:s26] =	ssyncadd.s32 $0xFFFFFF80  }
0x3c: {  	_ =	swait.ge [sflag:s28], $0x80  }
0x3d: {  	[sflag:s28] =	ssyncset.done $0x0  }
0x3e: {  	[sflag:s28] =	ssyncadd.s32 $0xFFFFFF80  }
0x3f: {  	_ =	swait.ge [sflag:s29], $0x80  }
0x40: {  	[sflag:s29] =	ssyncset.done $0x0  }
0x41: {  	[sflag:s29] =	ssyncadd.s32 $0xFFFFFF80  }
0x42: {  	_ =	swait.ge [sflag:s30], $0x80  }
0x43: {  	[sflag:s30] =	ssyncset.done $0x0  }
0x44: {  	[sflag:s30] =	ssyncadd.s32 $0xFFFFFF80  }
0x45: {  	_ =	swait.ge [sflag:s31], $0x80  }
0x46: {  	[sflag:s31] =	ssyncset.done $0x0  }
0x47: {  	[sflag:s31] =	ssyncadd.s32 $0xFFFFFF80  }
0x48: {  	v1 =	vld [tilespmem:$0x400]  }
0x49: {  	v2 =	vld [tilespmem:$0x600];
	_ =	sdelay $0x1  }
0x4a: {  	v0 =	vld [tilespmem:$0x800];
	_ =	sdelay $0x2  }
0x4b: {  	v1 =	vadd.f32 v2, v1;
	_ =	sdelay $0x1  }
0x4c: {  	v1 =	vadd.f32 v1, v0;
	_ =	sdelay $0x1  }
0x4d: {  	v1 =	vsub.f32 $0.0e+00, v1;
	_ =	sdelay $0x1  }
0x4e: {  	v1 =	vmul.f32 $1.442695020e+00, v1  }
0x4f: {  	v18 =	vld [tilespmem:$0x410]  }
0x50: {  	v19 =	vld [tilespmem:$0x610];
	(erf) = vpow2.f32 v1;
	_ =	sdelay $0x4  }
0x51: {  	v1 =	vadd.f32 v19, v18;
	_ =	sdelay $0x1  }
0x52: {  	v1 =	vadd.f32 v1, v0;
	_ =	sdelay $0x1  }
0x53: {  	v1 =	vsub.f32 $0.0e+00, v1;
	v20 =	vpop (erf)  }
0x54: {  	v2 =	vadd.f32 $1.000000000e+00, v20  }
0x55: {  	v21 =	vld [tilespmem:$0x420];
	v1 =	vmul.f32 $1.442695020e+00, v1  }
0x56: {  	v22 =	vld [tilespmem:$0x620];
	(erf) = vrcp.f32 v2  }
0x57: {  	(erf) = vpow2.f32 v1;
	_ =	sdelay $0x3  }
0x58: {  	v1 =	vadd.f32 v22, v21;
	_ =	sdelay $0x2  }
0x59: {  	v2 =	vadd.f32 v1, v0  }
0x5a: {  	v1 =	vpop (erf)  }
0x5b: {  	v2 =	vsub.f32 $0.0e+00, v2;
	v3 =	vpop (erf)  }
0x5c: {  	v3 =	vadd.f32 $1.000000000e+00, v3  }
0x5d: {  	v23 =	vld [tilespmem:$0x430];
	v2 =	vmul.f32 $1.442695020e+00, v2  }
0x5e: {  	v24 =	vld [tilespmem:$0x630];
	(erf) = vrcp.f32 v3  }
0x5f: {  	(erf) = vpow2.f32 v2;
	_ =	sdelay $0x3  }
0x60: {  	v2 =	vadd.f32 v24, v23;
	_ =	sdelay $0x2  }
0x61: {  	v3 =	vadd.f32 v2, v0  }
0x62: {  	v2 =	vpop (erf)  }
0x63: {  	v3 =	vsub.f32 $0.0e+00, v3;
	v4 =	vpop (erf)  }
0x64: {  	v4 =	vadd.f32 $1.000000000e+00, v4  }
0x65: {  	v25 =	vld [tilespmem:$0x440];
	v3 =	vmul.f32 $1.442695020e+00, v3  }
0x66: {  	v26 =	vld [tilespmem:$0x640];
	(erf) = vrcp.f32 v4  }
0x67: {  	(erf) = vpow2.f32 v3;
	_ =	sdelay $0x3  }
0x68: {  	v3 =	vadd.f32 v26, v25;
	_ =	sdelay $0x2  }
0x69: {  	v4 =	vadd.f32 v3, v0  }
0x6a: {  	v3 =	vpop (erf)  }
0x6b: {  	v4 =	vsub.f32 $0.0e+00, v4;
	v5 =	vpop (erf)  }
0x6c: {  	v5 =	vadd.f32 $1.000000000e+00, v5  }
0x6d: {  	v27 =	vld [tilespmem:$0x450];
	v4 =	vmul.f32 $1.442695020e+00, v4  }
0x6e: {  	v28 =	vld [tilespmem:$0x650];
	(erf) = vrcp.f32 v5  }
0x6f: {  	(erf) = vpow2.f32 v4;
	_ =	sdelay $0x3  }
0x70: {  	v4 =	vadd.f32 v28, v27;
	_ =	sdelay $0x2  }
0x71: {  	v5 =	vadd.f32 v4, v0  }
0x72: {  	v4 =	vpop (erf)  }
0x73: {  	v5 =	vsub.f32 $0.0e+00, v5;
	v6 =	vpop (erf)  }
0x74: {  	v6 =	vadd.f32 $1.000000000e+00, v6  }
0x75: {  	v29 =	vld [tilespmem:$0x460];
	v5 =	vmul.f32 $1.442695020e+00, v5  }
0x76: {  	v30 =	vld [tilespmem:$0x660];
	(erf) = vrcp.f32 v6  }
0x77: {  	(erf) = vpow2.f32 v5;
	_ =	sdelay $0x3  }
0x78: {  	v5 =	vadd.f32 v30, v29;
	_ =	sdelay $0x2  }
0x79: {  	v6 =	vadd.f32 v5, v0  }
0x7a: {  	v5 =	vpop (erf)  }
0x7b: {  	v6 =	vsub.f32 $0.0e+00, v6;
	v7 =	vpop (erf)  }
0x7c: {  	v7 =	vadd.f32 $1.000000000e+00, v7  }
0x7d: {  	v31 =	vld [tilespmem:$0x470];
	v6 =	vmul.f32 $1.442695020e+00, v6  }
0x7e: {  	v32 =	vld [tilespmem:$0x670];
	(erf) = vrcp.f32 v7  }
0x7f: {  	(erf) = vpow2.f32 v6;
	_ =	sdelay $0x3  }
0x80: {  	v6 =	vadd.f32 v32, v31;
	_ =	sdelay $0x2  }
0x81: {  	v7 =	vadd.f32 v6, v0  }
0x82: {  	v6 =	vpop (erf)  }
0x83: {  	v7 =	vsub.f32 $0.0e+00, v7;
	v8 =	vpop (erf)  }
0x84: {  	v8 =	vadd.f32 $1.000000000e+00, v8  }
0x85: {  	v33 =	vld [tilespmem:$0x480];
	v7 =	vmul.f32 $1.442695020e+00, v7  }
0x86: {  	v34 =	vld [tilespmem:$0x680];
	(erf) = vrcp.f32 v8  }
0x87: {  	(erf) = vpow2.f32 v7;
	_ =	sdelay $0x3  }
0x88: {  	v7 =	vadd.f32 v34, v33;
	_ =	sdelay $0x2  }
0x89: {  	v8 =	vadd.f32 v7, v0  }
0x8a: {  	v7 =	vpop (erf)  }
0x8b: {  	v8 =	vsub.f32 $0.0e+00, v8;
	v9 =	vpop (erf)  }
0x8c: {  	v9 =	vadd.f32 $1.000000000e+00, v9  }
0x8d: {  	v35 =	vld [tilespmem:$0x490];
	v8 =	vmul.f32 $1.442695020e+00, v8  }
0x8e: {  	v36 =	vld [tilespmem:$0x690];
	(erf) = vrcp.f32 v9  }
0x8f: {  	(erf) = vpow2.f32 v8;
	_ =	sdelay $0x3  }
0x90: {  	v8 =	vadd.f32 v36, v35;
	_ =	sdelay $0x2  }
0x91: {  	v9 =	vadd.f32 v8, v0  }
0x92: {  	v8 =	vpop (erf)  }
0x93: {  	v9 =	vsub.f32 $0.0e+00, v9;
	v10 =	vpop (erf)  }
0x94: {  	v10 =	vadd.f32 $1.000000000e+00, v10  }
0x95: {  	v37 =	vld [tilespmem:$0x4A0];
	v9 =	vmul.f32 $1.442695020e+00, v9  }
0x96: {  	v38 =	vld [tilespmem:$0x6A0];
	(erf) = vrcp.f32 v10  }
0x97: {  	(erf) = vpow2.f32 v9;
	_ =	sdelay $0x3  }
0x98: {  	v9 =	vadd.f32 v38, v37;
	_ =	sdelay $0x2  }
0x99: {  	v10 =	vadd.f32 v9, v0  }
0x9a: {  	v9 =	vpop (erf)  }
0x9b: {  	v10 =	vsub.f32 $0.0e+00, v10;
	v11 =	vpop (erf)  }
0x9c: {  	v11 =	vadd.f32 $1.000000000e+00, v11  }
0x9d: {  	v39 =	vld [tilespmem:$0x4B0];
	v10 =	vmul.f32 $1.442695020e+00, v10  }
0x9e: {  	v40 =	vld [tilespmem:$0x6B0];
	(erf) = vrcp.f32 v11  }
0x9f: {  	(erf) = vpow2.f32 v10;
	_ =	sdelay $0x3  }
0xa0: {  	v10 =	vadd.f32 v40, v39;
	_ =	sdelay $0x2  }
0xa1: {  	v11 =	vadd.f32 v10, v0  }
0xa2: {  	v10 =	vpop (erf)  }
0xa3: {  	v11 =	vsub.f32 $0.0e+00, v11;
	v12 =	vpop (erf)  }
0xa4: {  	v12 =	vadd.f32 $1.000000000e+00, v12  }
0xa5: {  	v41 =	vld [tilespmem:$0x4C0];
	v11 =	vmul.f32 $1.442695020e+00, v11  }
0xa6: {  	v42 =	vld [tilespmem:$0x6C0];
	(erf) = vrcp.f32 v12  }
0xa7: {  	(erf) = vpow2.f32 v11;
	_ =	sdelay $0x3  }
0xa8: {  	v11 =	vadd.f32 v42, v41;
	_ =	sdelay $0x2  }
0xa9: {  	v12 =	vadd.f32 v11, v0  }
0xaa: {  	v11 =	vpop (erf)  }
0xab: {  	v12 =	vsub.f32 $0.0e+00, v12;
	v13 =	vpop (erf)  }
0xac: {  	v13 =	vadd.f32 $1.000000000e+00, v13  }
0xad: {  	v43 =	vld [tilespmem:$0x4D0];
	v12 =	vmul.f32 $1.442695020e+00, v12  }
0xae: {  	v44 =	vld [tilespmem:$0x6D0];
	(erf) = vrcp.f32 v13  }
0xaf: {  	(erf) = vpow2.f32 v12;
	_ =	sdelay $0x3  }
0xb0: {  	v12 =	vadd.f32 v44, v43;
	_ =	sdelay $0x2  }
0xb1: {  	v13 =	vadd.f32 v12, v0  }
0xb2: {  	v12 =	vpop (erf)  }
0xb3: {  	v13 =	vsub.f32 $0.0e+00, v13;
	v14 =	vpop (erf)  }
0xb4: {  	v14 =	vadd.f32 $1.000000000e+00, v14  }
0xb5: {  	v45 =	vld [tilespmem:$0x4E0];
	v13 =	vmul.f32 $1.442695020e+00, v13  }
0xb6: {  	v46 =	vld [tilespmem:$0x6E0];
	(erf) = vrcp.f32 v14  }
0xb7: {  	(erf) = vpow2.f32 v13;
	_ =	sdelay $0x3  }
0xb8: {  	v13 =	vadd.f32 v46, v45;
	_ =	sdelay $0x2  }
0xb9: {  	v14 =	vadd.f32 v13, v0  }
0xba: {  	v13 =	vpop (erf)  }
0xbb: {  	v14 =	vsub.f32 $0.0e+00, v14;
	v15 =	vpop (erf)  }
0xbc: {  	v15 =	vadd.f32 $1.000000000e+00, v15  }
0xbd: {  	v47 =	vld [tilespmem:$0x4F0];
	v14 =	vmul.f32 $1.442695020e+00, v14  }
0xbe: {  	v48 =	vld [tilespmem:$0x6F0];
	(erf) = vrcp.f32 v15  }
0xbf: {  	(erf) = vpow2.f32 v14;
	_ =	sdelay $0x3  }
0xc0: {  	v14 =	vadd.f32 v48, v47;
	_ =	sdelay $0x2  }
0xc1: {  	v15 =	vadd.f32 v14, v0  }
0xc2: {  	v14 =	vpop (erf)  }
0xc3: {  	v15 =	vsub.f32 $0.0e+00, v15;
	v16 =	vpop (erf)  }
0xc4: {  	v16 =	vadd.f32 $1.000000000e+00, v16  }
0xc5: {  	v49 =	vld [tilespmem:$0x500];
	v15 =	vmul.f32 $1.442695020e+00, v15  }
0xc6: {  	v50 =	vld [tilespmem:$0x700];
	(erf) = vrcp.f32 v16  }
0xc7: {  	(erf) = vpow2.f32 v15;
	_ =	sdelay $0x3  }
0xc8: {  	v15 =	vadd.f32 v50, v49;
	_ =	sdelay $0x2  }
0xc9: {  	v16 =	vadd.f32 v15, v0  }
0xca: {  	v15 =	vpop (erf)  }
0xcb: {  	v16 =	vsub.f32 $0.0e+00, v16;
	v17 =	vpop (erf)  }
0xcc: {  	v17 =	vadd.f32 $1.000000000e+00, v17  }
0xcd: {  	v51 =	vld [tilespmem:$0x510];
	v16 =	vmul.f32 $1.442695020e+00, v16  }
0xce: {  	v52 =	vld [tilespmem:$0x710];
	(erf) = vrcp.f32 v17  }
0xcf: {  	(erf) = vpow2.f32 v16;
	_ =	sdelay $0x3  }
0xd0: {  	v16 =	vadd.f32 v52, v51;
	_ =	sdelay $0x2  }
0xd1: {  	v17 =	vadd.f32 v16, v0  }
0xd2: {  	v16 =	vpop (erf)  }
0xd3: {  	v17 =	vsub.f32 $0.0e+00, v17;
	v18 =	vpop (erf)  }
0xd4: {  	v18 =	vadd.f32 $1.000000000e+00, v18  }
0xd5: {  	v53 =	vld [tilespmem:$0x520];
	v17 =	vmul.f32 $1.442695020e+00, v17  }
0xd6: {  	v54 =	vld [tilespmem:$0x720];
	(erf) = vrcp.f32 v18  }
0xd7: {  	(erf) = vpow2.f32 v17;
	_ =	sdelay $0x3  }
0xd8: {  	v17 =	vadd.f32 v54, v53;
	_ =	sdelay $0x2  }
0xd9: {  	v18 =	vadd.f32 v17, v0  }
0xda: {  	v17 =	vpop (erf)  }
0xdb: {  	v18 =	vsub.f32 $0.0e+00, v18;
	v19 =	vpop (erf)  }
0xdc: {  	v19 =	vadd.f32 $1.000000000e+00, v19  }
0xdd: {  	v55 =	vld [tilespmem:$0x530];
	v18 =	vmul.f32 $1.442695020e+00, v18  }
0xde: {  	v56 =	vld [tilespmem:$0x730];
	(erf) = vrcp.f32 v19  }
0xdf: {  	(erf) = vpow2.f32 v18;
	_ =	sdelay $0x3  }
0xe0: {  	v18 =	vadd.f32 v56, v55;
	_ =	sdelay $0x2  }
0xe1: {  	v19 =	vadd.f32 v18, v0  }
0xe2: {  	v18 =	vpop (erf)  }
0xe3: {  	v19 =	vsub.f32 $0.0e+00, v19;
	v20 =	vpop (erf)  }
0xe4: {  	v20 =	vadd.f32 $1.000000000e+00, v20  }
0xe5: {  	v57 =	vld [tilespmem:$0x540];
	v19 =	vmul.f32 $1.442695020e+00, v19  }
0xe6: {  	v58 =	vld [tilespmem:$0x740];
	(erf) = vrcp.f32 v20  }
0xe7: {  	(erf) = vpow2.f32 v19;
	_ =	sdelay $0x3  }
0xe8: {  	v19 =	vadd.f32 v58, v57;
	_ =	sdelay $0x2  }
0xe9: {  	v20 =	vadd.f32 v19, v0  }
0xea: {  	v19 =	vpop (erf)  }
0xeb: {  	v20 =	vsub.f32 $0.0e+00, v20;
	v21 =	vpop (erf)  }
0xec: {  	v21 =	vadd.f32 $1.000000000e+00, v21  }
0xed: {  	v59 =	vld [tilespmem:$0x550];
	v20 =	vmul.f32 $1.442695020e+00, v20  }
0xee: {  	v60 =	vld [tilespmem:$0x750];
	(erf) = vrcp.f32 v21  }
0xef: {  	(erf) = vpow2.f32 v20;
	_ =	sdelay $0x3  }
0xf0: {  	v20 =	vadd.f32 v60, v59;
	_ =	sdelay $0x2  }
0xf1: {  	v21 =	vadd.f32 v20, v0  }
0xf2: {  	v20 =	vpop (erf)  }
0xf3: {  	v21 =	vsub.f32 $0.0e+00, v21;
	v22 =	vpop (erf)  }
0xf4: {  	v22 =	vadd.f32 $1.000000000e+00, v22  }
0xf5: {  	v21 =	vmul.f32 $1.442695020e+00, v21  }
0xf6: {  	v61 =	vld [tilespmem:$0x560];
	(erf) = vrcp.f32 v22  }
0xf7: {  	v62 =	vld [tilespmem:$0x760];
	(erf) = vpow2.f32 v21;
	_ =	sdelay $0x4  }
0xf8: {  	v21 =	vadd.f32 v62, v61;
	_ =	sdelay $0x1  }
0xf9: {  	v22 =	vadd.f32 v21, v0  }
0xfa: {  	v63 =	vpop (erf)  }
0xfb: {  	v22 =	vsub.f32 $0.0e+00, v22;
	v23 =	vpop (erf)  }
0xfc: {  	v23 =	vadd.f32 $1.000000000e+00, v23  }
0xfd: {  	v22 =	vmul.f32 $1.442695020e+00, v22  }
0xfe: {  	v32 =	vld [tilespmem:$0x570];
	(erf) = vrcp.f32 v23  }
0xff: {  	v33 =	vld [tilespmem:$0x770];
	(erf) = vpow2.f32 v22;
	_ =	sdelay $0x4  }
0x100: {  	v22 =	vadd.f32 v33, v32;
	_ =	sdelay $0x1  }
0x101: {  	v22 =	vadd.f32 v22, v0  }
0x102: {  	v34 =	vpop (erf)  }
0x103: {  	v22 =	vsub.f32 $0.0e+00, v22;
	v24 =	vpop (erf)  }
0x104: {  	v24 =	vadd.f32 $1.000000000e+00, v24  }
0x105: {  	v22 =	vmul.f32 $1.442695020e+00, v22  }
0x106: {  	v35 =	vld [tilespmem:$0x580];
	(erf) = vrcp.f32 v24  }
0x107: {  	v36 =	vld [tilespmem:$0x780];
	(erf) = vpow2.f32 v22;
	_ =	sdelay $0x4  }
0x108: {  	v22 =	vadd.f32 v36, v35;
	_ =	sdelay $0x1  }
0x109: {  	v22 =	vadd.f32 v22, v0  }
0x10a: {  	v37 =	vpop (erf)  }
0x10b: {  	v22 =	vsub.f32 $0.0e+00, v22;
	v25 =	vpop (erf)  }
0x10c: {  	v25 =	vadd.f32 $1.000000000e+00, v25  }
0x10d: {  	v22 =	vmul.f32 $1.442695020e+00, v22  }
0x10e: {  	v38 =	vld [tilespmem:$0x590];
	(erf) = vrcp.f32 v25  }
0x10f: {  	v39 =	vld [tilespmem:$0x790];
	(erf) = vpow2.f32 v22;
	_ =	sdelay $0x4  }
0x110: {  	v22 =	vadd.f32 v39, v38;
	_ =	sdelay $0x1  }
0x111: {  	v22 =	vadd.f32 v22, v0  }
0x112: {  	v40 =	vpop (erf)  }
0x113: {  	v22 =	vsub.f32 $0.0e+00, v22;
	v26 =	vpop (erf)  }
0x114: {  	v26 =	vadd.f32 $1.000000000e+00, v26  }
0x115: {  	v22 =	vmul.f32 $1.442695020e+00, v22  }
0x116: {  	v41 =	vld [tilespmem:$0x5A0];
	(erf) = vrcp.f32 v26  }
0x117: {  	v42 =	vld [tilespmem:$0x7A0];
	(erf) = vpow2.f32 v22;
	_ =	sdelay $0x4  }
0x118: {  	v22 =	vadd.f32 v42, v41;
	_ =	sdelay $0x1  }
0x119: {  	v22 =	vadd.f32 v22, v0  }
0x11a: {  	v43 =	vpop (erf)  }
0x11b: {  	v22 =	vsub.f32 $0.0e+00, v22;
	v27 =	vpop (erf)  }
0x11c: {  	v27 =	vadd.f32 $1.000000000e+00, v27  }
0x11d: {  	v22 =	vmul.f32 $1.442695020e+00, v22  }
0x11e: {  	v44 =	vld [tilespmem:$0x5B0];
	(erf) = vrcp.f32 v27  }
0x11f: {  	v45 =	vld [tilespmem:$0x7B0];
	(erf) = vpow2.f32 v22;
	_ =	sdelay $0x4  }
0x120: {  	v22 =	vadd.f32 v45, v44;
	_ =	sdelay $0x1  }
0x121: {  	v22 =	vadd.f32 v22, v0  }
0x122: {  	v46 =	vpop (erf)  }
0x123: {  	v22 =	vsub.f32 $0.0e+00, v22;
	v28 =	vpop (erf)  }
0x124: {  	v28 =	vadd.f32 $1.000000000e+00, v28  }
0x125: {  	v22 =	vmul.f32 $1.442695020e+00, v22  }
0x126: {  	v47 =	vld [tilespmem:$0x5C0];
	(erf) = vrcp.f32 v28  }
0x127: {  	v48 =	vld [tilespmem:$0x7C0];
	(erf) = vpow2.f32 v22;
	_ =	sdelay $0x4  }
0x128: {  	v22 =	vadd.f32 v48, v47;
	_ =	sdelay $0x1  }
0x129: {  	v22 =	vadd.f32 v22, v0  }
0x12a: {  	v49 =	vpop (erf)  }
0x12b: {  	v22 =	vsub.f32 $0.0e+00, v22;
	v29 =	vpop (erf)  }
0x12c: {  	v29 =	vadd.f32 $1.000000000e+00, v29  }
0x12d: {  	v22 =	vmul.f32 $1.442695020e+00, v22  }
0x12e: {  	v50 =	vld [tilespmem:$0x5D0];
	(erf) = vrcp.f32 v29  }
0x12f: {  	v51 =	vld [tilespmem:$0x7D0];
	(erf) = vpow2.f32 v22;
	_ =	sdelay $0x4  }
0x130: {  	v22 =	vadd.f32 v51, v50;
	_ =	sdelay $0x1  }
0x131: {  	v22 =	vadd.f32 v22, v0  }
0x132: {  	v52 =	vpop (erf)  }
0x133: {  	v22 =	vsub.f32 $0.0e+00, v22;
	v30 =	vpop (erf)  }
0x134: {  	v30 =	vadd.f32 $1.000000000e+00, v30  }
0x135: {  	v22 =	vmul.f32 $1.442695020e+00, v22  }
0x136: {  	v53 =	vld [tilespmem:$0x5E0];
	(erf) = vrcp.f32 v30  }
0x137: {  	v54 =	vld [tilespmem:$0x7E0];
	(erf) = vpow2.f32 v22;
	_ =	sdelay $0x4  }
0x138: {  	v22 =	vadd.f32 v54, v53;
	_ =	sdelay $0x1  }
0x139: {  	v22 =	vadd.f32 v22, v0  }
0x13a: {  	v55 =	vpop (erf)  }
0x13b: {  	v22 =	vsub.f32 $0.0e+00, v22;
	v31 =	vpop (erf)  }
0x13c: {  	v31 =	vadd.f32 $1.000000000e+00, v31  }
0x13d: {  	v22 =	vmul.f32 $1.442695020e+00, v22  }
0x13e: {  	v56 =	vld [tilespmem:$0x5F0];
	(erf) = vrcp.f32 v31  }
0x13f: {  	v57 =	vld [tilespmem:$0x7F0];
	(erf) = vpow2.f32 v22;
	_ =	sdelay $0x3  }
0x140: {  	[tilespmem:$0x810] =	vst v1  }
0x141: {  	[tilespmem:$0x820] =	vst v2;
	v58 =	vadd.f32 v57, v56  }
0x142: {  	[tilespmem:$0x830] =	vst v3  }
0x143: {  	[tilespmem:$0x840] =	vst v4;
	v0 =	vadd.f32 v58, v0  }
0x144: {  	[tilespmem:$0x850] =	vst v5;
	v59 =	vpop (erf)  }
0x145: {  	[tilespmem:$0x860] =	vst v6;
	v0 =	vsub.f32 $0.0e+00, v0;
	v60 =	vpop (erf)  }
0x146: {  	[tilespmem:$0x870] =	vst v7;
	v2 =	vadd.f32 $1.000000000e+00, v60  }
0x147: {  	[tilespmem:$0x880] =	vst v8;
	v0 =	vmul.f32 $1.442695020e+00, v0  }
0x148: {  	[tilespmem:$0x890] =	vst v9;
	(erf) = vrcp.f32 v2  }
0x149: {  	[tilespmem:$0x8A0] =	vst v10;
	(erf) = vpow2.f32 v0  }
0x14a: {  	[tilespmem:$0x8B0] =	vst v11  }
0x14b: {  	[tilespmem:$0x8C0] =	vst v12  }
0x14c: {  	[tilespmem:$0x8D0] =	vst v13  }
0x14d: {  	[tilespmem:$0x8E0] =	vst v14  }
0x14e: {  	[tilespmem:$0x8F0] =	vst v15  }
0x14f: {  	[tilespmem:$0x900] =	vst v16  }
0x150: {  	[tilespmem:$0x910] =	vst v17  }
0x151: {  	[tilespmem:$0x920] =	vst v18;
	v61 =	vpop (erf)  }
0x152: {  	[tilespmem:$0x930] =	vst v19;
	v62 =	vpop (erf)  }
0x153: {  	[tilespmem:$0x940] =	vst v20;
	v2 =	vadd.f32 $1.000000000e+00, v62  }
0x154: {  	[tilespmem:$0x950] =	vst v63  }
0x155: {  	[tilespmem:$0x960] =	vst v34;
	(erf) = vrcp.f32 v2  }
0x156: {  	[tilespmem:$0x970] =	vst v37  }
0x157: {  	[tilespmem:$0x980] =	vst v40  }
0x158: {  	[tilespmem:$0x990] =	vst v43  }
0x159: {  	[tilespmem:$0x9A0] =	vst v46  }
0x15a: {  	[tilespmem:$0x9B0] =	vst v49  }
0x15b: {  	[tilespmem:$0x9C0] =	vst v52  }
0x15c: {  	[tilespmem:$0x9D0] =	vst v55  }
0x15d: {  	[tilespmem:$0x9E0] =	vst v59  }
0x15e: {  	p0 =	sne.s32 s5, $0x1;
	[tilespmem:$0x9F0] =	vst v61;
	v63 =	vpop (erf)  }
.Ltmp0:
0x15f: {  	s1 =	rddreg [dreg:$0x6];
	[tilespmem:$0xA00] =	vst v63;
	(pc) =	sbr.rel @p0 .LBB2_1-.Ltmp0, $4  }
0x160: {  	[hbm4b:s1+s2] =	stream.linear.scatter [tilespmem:s0], [sflag:$0x9], $0x200, $0x38;
	[tilespmem:$0xA10] =	vst v63  }
0x161: {  	_ =	swait.ge [sflag:s6], $0x200  }
0x162: {  	[sflag:s6] =	ssyncset.done $0x0  }
0x163: {  	s5 =	sadd.s32 $0xFFFFFFFF, s5;
	[sflag:s6] =	ssyncadd.s32 $0xFFFFFE00  }
0x164: {  	_ =	sfence.sel $0x180000  }
0x165: {  	[bflag:$0x0] =	sbarrier.arrive $0xFFFF  }
0x166: {  	_ =	strace $0x90000047  }
0x167: {  	s0 =	stileid.u32;
	[bflag:$0x2] =	sbarrier.arrive $0xFFFF  }
0x168: {  	p0 =	sne.s32 s0, $0x0;
	s0 =	rddreg [dreg:$0x2]  }
0x169: {  	s0 =	sadd.s32 @!p0 $0x100000, s0  }
0x16a: {  	[sflag:s0] =	ssyncadd.tile.s32 @!p0 $0x1;
	_ =	shalt  }
.Lfunc_end2:
_tile_overlayer_lowered:
.L_overlay_start_2:
0x16b: {  	(tag) =	ssettag $0x2  }
0x16c: {  	s0 =	rddreg [dreg:$0x0];
	s2 =	stileid.u32  }
0x16d: {  	s1 =	rddreg [dreg:$0x1];
	p0 =	sne.s32 s2, $0x0  }
0x16e: {  	s3 =	rddreg [dreg:$0x2];
	[bflag:$0x3] =	sbarrier.arrive $0xFFFF;
	s2 =	simm.s32 @!p0 $0x1C09  }
0x16f: {  	[timem:s3], [sflag:s2] =	dma.local @!p0 [hbm:s0], s1  }
0x170: {  	s0 =	simm.s32 @!p0 $0x9  }
0x171: {  	_ =	swait.ge @!p0 [sflag:s0], s1  }
0x172: {  	s1 =	ssub.s32 @!p0 $0x0, s1;
	[sflag:s0] =	ssyncset.done @!p0 $0x0  }
0x173: {  	[sflag:s0] =	ssyncadd.s32 @!p0 s1  }
0x174: {  	[bflag:$0x3] =	sbarrier.arrive $0xFFFF  }
0x175: {  	_ =	shalt  }

</sc_bundles>
